<compile_context>
chip_gen: v7x
topology: tpu7x:2x2x1
jax: 0.10.2.dev20260603
libtpu: 0.0.44.dev20260713+nightly
codegen_flags: <defaults>
</compile_context>

<pallas_src>
import jax
import jax.numpy as jnp
from jax import lax
from jax.experimental import pallas as pl
from jax.experimental.pallas import tpu as pltpu
from jax.experimental.pallas import tpu_sc as plsc

B, S, D = 4, 8192, 768
HIDDEN = 64
MAX_K = 64
N = B * S
CHUNK = 2048
NSTEP = N // CHUNK
NSLOT = B * MAX_K
G, C = 8, 1024


def _fused_body(x_ref, w1_ref, b1_ref, w2t_ref, b2_ref, kl_ref,
                mask_ref, gidx_ref, ek_ref, o_ref,
                lg_ref, s_ref):
    i = pl.program_id(0)
    x = x_ref[...]
    h = lax.dot_general(x, w1_ref[...], (((1,), (0,)), ((), ())))
    h = jnp.maximum(h + b1_ref[...], 0.0)
    lg = lax.dot_general(w2t_ref[...], h, (((1,), (1,)), ((), ())))
    lg = lg + b2_ref[...]
    lg_ref[pl.ds(i, 1), :, :] = lg.reshape(1, 1, CHUNK)
    o_ref[...] = jnp.zeros((CHUNK, D), jnp.float32)

    @pl.when(i == NSTEP - 1)
    def _():
        kl = kl_ref[...]
        km = jnp.max(kl)
        kp = jnp.exp(kl - km)
        ar = lax.broadcasted_iota(jnp.int32, (1, MAX_K), 1).astype(jnp.float32)
        ek = jnp.sum(kp * (ar + 1.0)) / jnp.sum(kp)
        ek_ref[...] = ek.reshape(1, 1)
        ki = lax.broadcasted_iota(jnp.int32, (1, MAX_K), 1)
        ksel = jnp.min(jnp.where(kl >= km, ki, MAX_K)) + 1

        v = lg_ref[...].reshape(B, G, C)
        rm = jnp.max(v, axis=(1, 2), keepdims=True)
        e = jnp.exp(v - rm)
        s = e / jnp.sum(e, axis=(1, 2), keepdims=True)
        s_ref[...] = s

        fib = (lax.broadcasted_iota(jnp.int32, (B, G, C), 1) * C
               + lax.broadcasted_iota(jnp.int32, (B, G, C), 2))
        i64 = lax.broadcasted_iota(jnp.int32, (B, MAX_K), 1)

        sb = lax.bitcast_convert_type(s, jnp.int32)

        def count_gt(t):
            return jnp.sum((sb > t).astype(jnp.int32), axis=(1, 2), keepdims=True)

        def vbody(_, lohi):
            lo, hi = lohi
            mid = (lo + hi) >> 1
            c = count_gt(mid)
            return (jnp.where(c >= ksel, mid + 1, lo),
                    jnp.where(c >= ksel, hi, mid))

        z = jnp.zeros((B, 1, 1), jnp.int32)
        tb, _ = lax.fori_loop(0, 31, vbody, (z, z + (1 << 30)))

        ties = sb == tb
        cgt = count_gt(tb)
        extra = ksel - cgt

        def ibody(_, lohi):
            lo, hi = lohi
            mid = (lo + hi + 1) >> 1
            ec = jnp.sum(jnp.logical_and(ties, fib >= mid).astype(jnp.int32),
                         axis=(1, 2), keepdims=True)
            return (jnp.where(ec >= extra, mid, lo),
                    jnp.where(ec >= extra, hi, mid - 1))

        il, _ = lax.fori_loop(0, 13, ibody, (z, z + (S - 1)))

        selected = jnp.logical_or(sb > tb, jnp.logical_and(ties, fib >= il))
        sfin = s_ref[...]
        mask_ref[...] = jnp.where(selected, (1.0 - sfin) + sfin, 0.0).reshape(B, S)

        sel01 = selected.astype(jnp.int32)
        rs = jnp.sum(sel01, axis=2, keepdims=True)
        csr = rs
        k = 1
        while k < G:
            csr = csr + jnp.concatenate(
                [jnp.zeros((B, k, 1), jnp.int32), csr[:, :-k, :]], axis=1)
            k *= 2
        rofs = csr - rs
        csl = sel01
        k = 1
        while k < C:
            csl = csl + jnp.concatenate(
                [jnp.zeros((B, G, k), jnp.int32), csl[:, :, :-k]], axis=2)
            k *= 2
        slot = csl - 1 + rofs
        slotm = jnp.where(selected, slot, -7)

        idxs = jnp.zeros((B, MAX_K), jnp.int32)
        for j in range(MAX_K):
            mj = jnp.max(jnp.where(slotm == j, fib, -1), axis=(1, 2), keepdims=True)
            idxs = jnp.where(i64 == j, mj.reshape(B, 1), idxs)

        g0 = lax.slice(idxs, (0, 0), (B, 1))
        idxs = jnp.where(idxs < 0, g0, idxs)
        gidx_ref[...] = idxs + lax.broadcasted_iota(jnp.int32, (B, MAX_K), 0) * S


def _fused(x, w1, b1r, w2t, b2r, klr):
    return pl.pallas_call(
        _fused_body,
        grid=(NSTEP,),
        in_specs=[
            pl.BlockSpec((CHUNK, D), lambda i: (i, 0)),
            pl.BlockSpec((D, HIDDEN), lambda i: (0, 0)),
            pl.BlockSpec((1, HIDDEN), lambda i: (0, 0)),
            pl.BlockSpec((1, HIDDEN), lambda i: (0, 0)),
            pl.BlockSpec((1, 1), lambda i: (0, 0)),
            pl.BlockSpec((1, MAX_K), lambda i: (0, 0)),
        ],
        out_specs=[
            pl.BlockSpec((B, S), lambda i: (0, 0)),
            pl.BlockSpec((B, MAX_K), lambda i: (0, 0)),
            pl.BlockSpec((1, 1), lambda i: (0, 0)),
            pl.BlockSpec((CHUNK, D), lambda i: (i, 0)),
        ],
        out_shape=[
            jax.ShapeDtypeStruct((B, S), jnp.float32),
            jax.ShapeDtypeStruct((B, MAX_K), jnp.int32),
            jax.ShapeDtypeStruct((1, 1), jnp.float32),
            jax.ShapeDtypeStruct((N, D), jnp.float32),
        ],
        scratch_shapes=[
            pltpu.VMEM((NSTEP, 1, CHUNK), jnp.float32),
            pltpu.VMEM((B, G, C), jnp.float32),
        ],
    )(x, w1, b1r, w2t, b2r, klr)


def _sc_scatter_body(x_hbm, gidx_hbm, o_ref, idx_v, rows_v, sem):
    c = lax.axis_index("c")
    sid = lax.axis_index("s")

    @pl.when(sid < 8)
    def _():
        base = (c * 8 + sid) * 16
        pltpu.sync_copy(gidx_hbm.at[pl.ds(base, 16)], idx_v)
        pltpu.async_copy(x_hbm.at[idx_v], rows_v, sem).wait()
        pltpu.async_copy(rows_v, o_ref.at[idx_v], sem).wait()


def _sc_scatter(x, gidx, o_ref):
    mesh = plsc.VectorSubcoreMesh(
        core_axis_name="c", subcore_axis_name="s", num_cores=2, num_subcores=16
    )
    return pl.kernel(
        _sc_scatter_body,
        out_type=(),
        mesh=mesh,
        scratch_types=[
            pltpu.VMEM((16,), jnp.int32),
            pltpu.VMEM((16, D), jnp.float32),
            pltpu.SemaphoreType.DMA,
        ],
    )(x, gidx, o_ref)


def kernel(token_embeddings, W1, b1, W2, b2, k_logits):
    x = token_embeddings.reshape(N, D)
    b1r = b1.reshape(1, HIDDEN)
    w2t = W2.reshape(1, HIDDEN)
    b2r = b2.reshape(1, 1)
    klr = k_logits.reshape(1, MAX_K)

    mask, gidx4, ek, zeros = _fused(x, W1, b1r, w2t, b2r, klr)

    o_ref = jax.new_ref(zeros)
    _sc_scatter(x, gidx4.reshape(NSLOT), o_ref)
    filtered = o_ref[...].reshape(B, S, D)
    return filtered, mask, ek.reshape(())

# --- scband reference (transcript-rebuilt; emitter-appended) ---
"""Pipeline reference for scband-adaptive-token-filter-83288005804243 (READ-ONLY COPY).

The authoritative reference and input builder live on the scoring server;
editing this copy changes nothing except your own understanding.
"""

import jax, jax.numpy as jnp
import numpy as np

B, S, D = 4, 8192, 768
HIDDEN = 64
MAX_K = 64


def setup_inputs(seed: int = 0) -> dict:
    key = jax.random.key(seed)
    k1, k2, k3, k4 = jax.random.split(key, 4)
    token_embeddings = jax.random.normal(k1, (B, S, D), dtype=jnp.float32)
    W1 = jax.random.normal(k2, (D, HIDDEN), dtype=jnp.float32) * (1.0 / np.sqrt(D))
    b1 = jnp.zeros((HIDDEN,), dtype=jnp.float32)
    W2 = jax.random.normal(k3, (HIDDEN, 1), dtype=jnp.float32) * (1.0 / np.sqrt(HIDDEN))
    b2 = jnp.zeros((1,), dtype=jnp.float32)
    k_logits = jax.random.normal(k4, (MAX_K,), dtype=jnp.float32) * 0.1
    return {"token_embeddings": token_embeddings, "W1": W1, "b1": b1, "W2": W2, "b2": b2, "k_logits": k_logits}


def reference(token_embeddings, W1, b1, W2, b2, k_logits):
    # Eval/deterministic path of AdaptiveTokenFilter (rng=None -> no Gumbel noise)
    tau = 1.0
    # scorer: Dense(HIDDEN) -> relu -> Dense(1), squeeze(-1)
    h = jax.nn.relu(jnp.einsum('bsd,dh->bsh', token_embeddings, W1) + b1)
    importance_logits = (jnp.einsum('bsh,ho->bso', h, W2) + b2)[..., 0]  # [B, S]
    # k selection (no gumbel since rng is None)
    k_probs = jax.nn.softmax(k_logits)
    expected_k = jnp.sum(k_probs * jnp.arange(1, MAX_K + 1, dtype=jnp.float32))
    k_selected = jnp.argmax(k_probs) + 1
    # gumbel_softmax_topk with rng=None, hard=True
    soft_mask = jax.nn.softmax(importance_logits / tau, axis=-1)
    seq_len = soft_mask.shape[-1]
    ranks = jnp.argsort(jnp.argsort(soft_mask, axis=-1), axis=-1)
    hard_mask = (ranks >= seq_len - k_selected).astype(soft_mask.dtype)
    mask = jax.lax.stop_gradient(hard_mask - soft_mask) + soft_mask
    filtered_embeddings = token_embeddings * mask[..., None]
    return (filtered_embeddings, mask, expected_k)

if __name__ == "__main__":
    import jax
    _d = setup_inputs()
    print(jax.jit(kernel)(*tuple(_d.values())))

</pallas_src>

<mosaic_0001>
#map = affine_map<(d0, d1) -> (0, 0)>
#map1 = affine_map<(d0, d1) -> (0)>
module attributes {stable_mosaic.version = 14 : i64} {
  func.func @new_body(%arg0: i32, %arg1: i32, %arg2: memref<32768x768xf32, #tpu.memory_space<hbm>>, %arg3: memref<256xi32, #tpu.memory_space<hbm>>, %arg4: memref<32768x768xf32, #tpu.memory_space<hbm>>, %arg5: memref<32768x768xf32, #tpu.memory_space<hbm>>, %arg6: memref<16xi32, #tpu.memory_space<vmem>>, %arg7: memref<16x768xf32, #tpu.memory_space<vmem>>, %arg8: memref<!tpu.dma_semaphore, #tpu.memory_space<semaphore_mem>>) attributes {dimension_semantics = [#tpu.dimension_semantics<core_parallel>, #tpu.dimension_semantics<subcore_parallel>], iteration_bounds = array<i64: 2, 16>, scalar_prefetch = 0 : i64, scratch_operands = 3 : i64, tpu.core_type = #tpu.core_type<sc_vector_subcore>, window_params = [{transform_indices = #map}, {transform_indices = #map1}, {transform_indices = #map}, {transform_indices = #map}]} {
    %lt3A = arith.constant 8 : i32
    %lt3A_0 = arith.cmpi slt, %arg1, %lt3A : i32
    %convert_element_type3A = arith.extui %lt3A_0 : i1 to i32
    %cond3A = arith.constant 0 : i32
    %cond3A_1 = arith.cmpi ne, %convert_element_type3A, %cond3A : i32
    scf.if %cond3A_1 {
      %mul3A = arith.constant 8 : i32
      %mul3A_2 = arith.muli %arg0, %mul3A : i32
      %add3A = arith.addi %mul3A_2, %arg1 : i32
      %mul3A_3 = arith.constant 16 : i32
      %mul3A_4 = arith.muli %add3A, %mul3A_3 : i32
      "tpu.region"() ({
        %run_scoped3A = tpu.sem_alloc : memref<!tpu.dma_semaphore, #tpu.memory_space<semaphore_mem>>
        %dma_start3A_15 = tpu.memref_slice %arg3[%mul3A_4] : memref<256xi32, #tpu.memory_space<hbm>> -> memref<16xi32, #tpu.memory_space<hbm>>
        %dma_start3A_16 = tpu.memref_slice %arg3[%mul3A_4] : memref<256xi32, #tpu.memory_space<hbm>> -> memref<16xi32, #tpu.memory_space<hbm>>
        tpu.enqueue_dma source(%dma_start3A_16 : memref<16xi32, #tpu.memory_space<hbm>>) target(%arg6 : memref<16xi32, #tpu.memory_space<vmem>>) target_semaphore(%run_scoped3A : memref<!tpu.dma_semaphore, #tpu.memory_space<semaphore_mem>>)
        %dma_wait3A_17 = tpu.memref_slice %arg3[%mul3A_4] : memref<256xi32, #tpu.memory_space<hbm>> -> memref<16xi32, #tpu.memory_space<hbm>>
        %dma_wait3A_18 = tpu.memref_slice %arg3[%mul3A_4] : memref<256xi32, #tpu.memory_space<hbm>> -> memref<16xi32, #tpu.memory_space<hbm>>
        tpu.wait_dma2 semaphore(%run_scoped3A : memref<!tpu.dma_semaphore, #tpu.memory_space<semaphore_mem>>) src(%dma_wait3A_18 : memref<16xi32, #tpu.memory_space<hbm>>) dst(%arg6 : memref<16xi32, #tpu.memory_space<vmem>>)
        tpu.yield
      }) : () -> ()
      %dma_start3A = arith.constant 0 : i32
      %dma_start3A_5 = arith.constant 0 : i32
      %dma_start3A_6 = tpu.memref_slice %arg2[%dma_start3A, %dma_start3A_5] : memref<32768x768xf32, #tpu.memory_space<hbm>> -> memref<32768x768xf32, #tpu.memory_space<hbm>>
      tpu.enqueue_indirect_dma source(%dma_start3A_6 : memref<32768x768xf32, #tpu.memory_space<hbm>>) target(%arg7 : memref<16x768xf32, #tpu.memory_space<vmem>>) offsets(%arg6 : memref<16xi32, #tpu.memory_space<vmem>>) semaphore(%arg8 : memref<!tpu.dma_semaphore, #tpu.memory_space<semaphore_mem>>)
      %dma_wait3A = arith.constant 0 : i32
      %dma_wait3A_7 = arith.constant 0 : i32
      %dma_wait3A_8 = tpu.memref_slice %arg2[%dma_wait3A, %dma_wait3A_7] : memref<32768x768xf32, #tpu.memory_space<hbm>> -> memref<32768x768xf32, #tpu.memory_space<hbm>>
      tpu.wait_indirect_dma semaphore(%arg8 : memref<!tpu.dma_semaphore, #tpu.memory_space<semaphore_mem>>) src(%dma_wait3A_8 : memref<32768x768xf32, #tpu.memory_space<hbm>>) dst(%arg7 : memref<16x768xf32, #tpu.memory_space<vmem>>)
      %dma_start3A_9 = arith.constant 0 : i32
      %dma_start3A_10 = arith.constant 0 : i32
      %dma_start3A_11 = tpu.memref_slice %arg4[%dma_start3A_9, %dma_start3A_10] : memref<32768x768xf32, #tpu.memory_space<hbm>> -> memref<32768x768xf32, #tpu.memory_space<hbm>>
      tpu.enqueue_indirect_dma source(%arg7 : memref<16x768xf32, #tpu.memory_space<vmem>>) target(%dma_start3A_11 : memref<32768x768xf32, #tpu.memory_space<hbm>>) offsets(%arg6 : memref<16xi32, #tpu.memory_space<vmem>>) semaphore(%arg8 : memref<!tpu.dma_semaphore, #tpu.memory_space<semaphore_mem>>)
      %dma_wait3A_12 = arith.constant 0 : i32
      %dma_wait3A_13 = arith.constant 0 : i32
      %dma_wait3A_14 = tpu.memref_slice %arg4[%dma_wait3A_12, %dma_wait3A_13] : memref<32768x768xf32, #tpu.memory_space<hbm>> -> memref<32768x768xf32, #tpu.memory_space<hbm>>
      tpu.wait_indirect_dma semaphore(%arg8 : memref<!tpu.dma_semaphore, #tpu.memory_space<semaphore_mem>>) src(%arg7 : memref<16x768xf32, #tpu.memory_space<vmem>>) dst(%dma_wait3A_14 : memref<32768x768xf32, #tpu.memory_space<hbm>>)
    } else {
    }
    return
  }
}

module attributes {stable_mosaic.version = 14 : i64} {
  func.func @_fused_body(%arg0: i32, %arg1: memref<2048x768xf32, #tpu.memory_space<vmem>>, %arg2: memref<768x64xf32, #tpu.memory_space<vmem>>, %arg3: memref<1x64xf32, #tpu.memory_space<vmem>>, %arg4: memref<1x64xf32, #tpu.memory_space<vmem>>, %arg5: memref<1x1xf32, #tpu.memory_space<vmem>>, %arg6: memref<1x64xf32, #tpu.memory_space<vmem>>, %arg7: memref<4x8192xf32, #tpu.memory_space<vmem>>, %arg8: memref<4x64xi32, #tpu.memory_space<vmem>>, %arg9: memref<1x1xf32, #tpu.memory_space<vmem>>, %arg10: memref<2048x768xf32, #tpu.memory_space<vmem>>, %arg11: memref<16x1x2048xf32, #tpu.memory_space<vmem>>, %arg12: memref<4x8x1024xf32, #tpu.memory_space<vmem>>) attributes {dimension_semantics = [#tpu.dimension_semantics<arbitrary>], iteration_bounds = array<i64: 16>, scalar_prefetch = 0 : i64, scratch_operands = 2 : i64, tpu.core_type = #tpu.core_type<tc>, window_params = [{transform_indices = @transform_0, window_bounds = array<i64: 2048, 768>}, {pipeline_mode = #tpu.pipeline_mode<synchronous>, transform_indices = @transform_1, window_bounds = array<i64: 768, 64>}, {pipeline_mode = #tpu.pipeline_mode<synchronous>, transform_indices = @transform_2, window_bounds = array<i64: 1, 64>}, {pipeline_mode = #tpu.pipeline_mode<synchronous>, transform_indices = @transform_3, window_bounds = array<i64: 1, 64>}, {pipeline_mode = #tpu.pipeline_mode<synchronous>, transform_indices = @transform_4, window_bounds = array<i64: 1, 1>}, {pipeline_mode = #tpu.pipeline_mode<synchronous>, transform_indices = @transform_5, window_bounds = array<i64: 1, 64>}, {pipeline_mode = #tpu.pipeline_mode<synchronous>, transform_indices = @transform_6, window_bounds = array<i64: 4, 8192>}, {pipeline_mode = #tpu.pipeline_mode<synchronous>, transform_indices = @transform_7, window_bounds = array<i64: 4, 64>}, {pipeline_mode = #tpu.pipeline_mode<synchronous>, transform_indices = @transform_8, window_bounds = array<i64: 1, 1>}, {transform_indices = @transform_9, window_bounds = array<i64: 2048, 768>}]} {
    %get3A = arith.constant 0 : index
    %get3A_0 = arith.constant 0 : index
    %get3A_1 = vector.load %arg1[%get3A, %get3A_0] : memref<2048x768xf32, #tpu.memory_space<vmem>>, vector<2048x768xf32>
    %get3A_2 = arith.constant 0 : index
    %get3A_3 = arith.constant 0 : index
    %get3A_4 = vector.load %arg2[%get3A_2, %get3A_3] : memref<768x64xf32, #tpu.memory_space<vmem>>, vector<768x64xf32>
    %dot_general3A = arith.constant dense<0.000000e+00> : vector<2048x64xf32>
    %dot_general3A_5 = tpu.matmul %get3A_1, %get3A_4, %dot_general3A {dimension_numbers = #tpu.dot_dimension_numbers<[1], [0], [0], [1], [0, 0, 1, 1], [], []>, transpose_lhs_hint = false} : vector<2048x768xf32>, vector<768x64xf32>, vector<2048x64xf32> -> vector<2048x64xf32>
    %get3A_6 = arith.constant 0 : index
    %get3A_7 = arith.constant 0 : index
    %get3A_8 = vector.load %arg3[%get3A_6, %get3A_7] : memref<1x64xf32, #tpu.memory_space<vmem>>, vector<1x64xf32>
    %add3A = vector.broadcast %get3A_8 : vector<1x64xf32> to vector<2048x64xf32>
    %add3A_9 = arith.addf %dot_general3A_5, %add3A : vector<2048x64xf32>
    %max3A = arith.constant 0.000000e+00 : f32
    %max3A_10 = vector.broadcast %max3A : f32 to vector<2048x64xf32>
    %max3A_11 = arith.maximumf %add3A_9, %max3A_10 : vector<2048x64xf32>
    %get3A_12 = arith.constant 0 : index
    %get3A_13 = arith.constant 0 : index
    %get3A_14 = vector.load %arg4[%get3A_12, %get3A_13] : memref<1x64xf32, #tpu.memory_space<vmem>>, vector<1x64xf32>
    %dot_general3A_15 = arith.constant dense<0.000000e+00> : vector<1x2048xf32>
    %dot_general3A_16 = tpu.matmul %get3A_14, %max3A_11, %dot_general3A_15 {dimension_numbers = #tpu.dot_dimension_numbers<[1], [1], [0], [0], [0, 0, 1, 0], [], []>, transpose_lhs_hint = false} : vector<1x64xf32>, vector<2048x64xf32>, vector<1x2048xf32> -> vector<1x2048xf32>
    %get3A_17 = arith.constant 0 : index
    %get3A_18 = arith.constant 0 : index
    %get3A_19 = vector.load %arg5[%get3A_17, %get3A_18] : memref<1x1xf32, #tpu.memory_space<vmem>>, vector<1x1xf32>
    %add3A_20 = vector.broadcast %get3A_19 : vector<1x1xf32> to vector<1x2048xf32>
    %add3A_21 = arith.addf %dot_general3A_16, %add3A_20 : vector<1x2048xf32>
    %reshape3A = vector.shape_cast %add3A_21 : vector<1x2048xf32> to vector<1x1x2048xf32>
    %swap3A = arith.index_cast %arg0 : i32 to index
    %swap3A_22 = arith.constant 0 : index
    %swap3A_23 = arith.constant 0 : index
    %swap3A_24 = vector.load %arg11[%swap3A, %swap3A_22, %swap3A_23] : memref<16x1x2048xf32, #tpu.memory_space<vmem>>, vector<1x1x2048xf32>
    tpu.vector_store %arg11[%swap3A, %swap3A_22, %swap3A_23], %reshape3A {strides = array<i32>} : memref<16x1x2048xf32, #tpu.memory_space<vmem>>, vector<1x1x2048xf32>,
    %broadcast_in_dim3A = arith.constant 0.000000e+00 : f32
    %broadcast_in_dim3A_25 = vector.broadcast %broadcast_in_dim3A : f32 to vector<2048x768xf32>
    %swap3A_26 = arith.constant 0 : index
    %swap3A_27 = arith.constant 0 : index
    %swap3A_28 = vector.load %arg10[%swap3A_26, %swap3A_27] : memref<2048x768xf32, #tpu.memory_space<vmem>>, vector<2048x768xf32>
    tpu.vector_store %arg10[%swap3A_26, %swap3A_27], %broadcast_in_dim3A_25 {strides = array<i32>} : memref<2048x768xf32, #tpu.memory_space<vmem>>, vector<2048x768xf32>,
    %eq3A = arith.constant 15 : i32
    %eq3A_29 = arith.cmpi eq, %arg0, %eq3A : i32
    %convert_element_type3A = arith.extui %eq3A_29 : i1 to i32
    %cond3A = arith.constant 0 : i32
    %cond3A_30 = arith.cmpi ne, %convert_element_type3A, %cond3A : i32
    scf.if %cond3A_30 {
      %get3A_31 = arith.constant 0 : index
      %get3A_32 = arith.constant 0 : index
      %get3A_33 = vector.load %arg6[%get3A_31, %get3A_32] : memref<1x64xf32, #tpu.memory_space<vmem>>, vector<1x64xf32>
      %reduce_max3A = vector.shape_cast %get3A_33 : vector<1x64xf32> to vector<1x1x64xf32>
      %reduce_max3A_34 = arith.constant dense<0xFF800000> : vector<1xf32>
      %reduce_max3A_35 = vector.multi_reduction <maximumf>, %reduce_max3A, %reduce_max3A_34 [1, 2] : vector<1x1x64xf32> to vector<1xf32>
      %reduce_max3A_36 = vector.shape_cast %reduce_max3A_35 : vector<1xf32> to vector<1x1x1xf32>
      %reduce_max3A_37 = vector.extract %reduce_max3A_36[0, 0, 0] : f32 from vector<1x1x1xf32>
      %sub3A = vector.broadcast %reduce_max3A_37 : f32 to vector<1x64xf32>
      %sub3A_38 = arith.subf %get3A_33, %sub3A : vector<1x64xf32>
      %exp3A = math.exp %sub3A_38 : vector<1x64xf32>
      %iota3A = tpu.iota {dimensions = array<i32: 1>} : vector<1x64xi32>
      %convert_element_type3A_39 = arith.sitofp %iota3A : vector<1x64xi32> to vector<1x64xf32>
      %add3A_40 = arith.constant 1.000000e+00 : f32
      %add3A_41 = vector.broadcast %add3A_40 : f32 to vector<1x64xf32>
      %add3A_42 = arith.addf %convert_element_type3A_39, %add3A_41 : vector<1x64xf32>
      %mul3A = arith.mulf %exp3A, %add3A_42 : vector<1x64xf32>
      %reduce_sum3A = vector.shape_cast %mul3A : vector<1x64xf32> to vector<1x1x64xf32>
      %reduce_sum3A_43 = arith.constant dense<0.000000e+00> : vector<1xf32>
      %reduce_sum3A_44 = vector.multi_reduction <add>, %reduce_sum3A, %reduce_sum3A_43 [1, 2] : vector<1x1x64xf32> to vector<1xf32>
      %reduce_sum3A_45 = vector.shape_cast %reduce_sum3A_44 : vector<1xf32> to vector<1x1x1xf32>
      %reduce_sum3A_46 = vector.extract %reduce_sum3A_45[0, 0, 0] : f32 from vector<1x1x1xf32>
      %reduce_sum3A_47 = vector.shape_cast %exp3A : vector<1x64xf32> to vector<1x1x64xf32>
      %reduce_sum3A_48 = arith.constant dense<0.000000e+00> : vector<1xf32>
      %reduce_sum3A_49 = vector.multi_reduction <add>, %reduce_sum3A_47, %reduce_sum3A_48 [1, 2] : vector<1x1x64xf32> to vector<1xf32>
      %reduce_sum3A_50 = vector.shape_cast %reduce_sum3A_49 : vector<1xf32> to vector<1x1x1xf32>
      %reduce_sum3A_51 = vector.extract %reduce_sum3A_50[0, 0, 0] : f32 from vector<1x1x1xf32>
      %div3A = arith.divf %reduce_sum3A_46, %reduce_sum3A_51 : f32
      %reshape3A_52 = vector.broadcast %div3A : f32 to vector<1x1xf32>
      %swap3A_53 = arith.constant 0 : index
      %swap3A_54 = arith.constant 0 : index
      %swap3A_55 = vector.load %arg9[%swap3A_53, %swap3A_54] : memref<1x1xf32, #tpu.memory_space<vmem>>, vector<1x1xf32>
      tpu.vector_store %arg9[%swap3A_53, %swap3A_54], %reshape3A_52 {strides = array<i32>} : memref<1x1xf32, #tpu.memory_space<vmem>>, vector<1x1xf32>,
      %iota3A_56 = tpu.iota {dimensions = array<i32: 1>} : vector<1x64xi32>
      %ge3A = vector.broadcast %reduce_max3A_37 : f32 to vector<1x64xf32>
      %ge3A_57 = arith.cmpf oge, %get3A_33, %ge3A : vector<1x64xf32>
      %jit3A = arith.constant 64 : i32
      %broadcast_in_dim3A_58 = vector.broadcast %jit3A : i32 to vector<1x64xi32>
      %select_n3A = arith.select %ge3A_57, %iota3A_56, %broadcast_in_dim3A_58 : vector<1x64xi1>, vector<1x64xi32>
      %reduce_min3A = vector.shape_cast %select_n3A : vector<1x64xi32> to vector<1x1x64xi32>
      %reduce_min3A_59 = arith.constant dense<2147483647> : vector<1xi32>
      %reduce_min3A_60 = vector.multi_reduction <minsi>, %reduce_min3A, %reduce_min3A_59 [1, 2] : vector<1x1x64xi32> to vector<1xi32>
      %reduce_min3A_61 = vector.shape_cast %reduce_min3A_60 : vector<1xi32> to vector<1x1x1xi32>
      %reduce_min3A_62 = vector.extract %reduce_min3A_61[0, 0, 0] : i32 from vector<1x1x1xi32>
      %add3A_63 = arith.constant 1 : i32
      %add3A_64 = arith.addi %reduce_min3A_62, %add3A_63 : i32
      %get3A_65 = arith.constant 0 : index
      %get3A_66 = arith.constant 0 : index
      %get3A_67 = arith.constant 0 : index
      %get3A_68 = vector.load %arg11[%get3A_65, %get3A_66, %get3A_67] : memref<16x1x2048xf32, #tpu.memory_space<vmem>>, vector<16x1x2048xf32>
      %reshape3A_69 = vector.shape_cast %get3A_68 : vector<16x1x2048xf32> to vector<4x8x1024xf32>
      %reduce_max3A_70 = arith.constant dense<0xFF800000> : vector<4xf32>
      %reduce_max3A_71 = vector.multi_reduction <maximumf>, %reshape3A_69, %reduce_max3A_70 [1, 2] : vector<4x8x1024xf32> to vector<4xf32>
      %broadcast_in_dim3A_72 = vector.shape_cast %reduce_max3A_71 : vector<4xf32> to vector<4x1x1xf32>
      %sub3A_73 = vector.broadcast %broadcast_in_dim3A_72 : vector<4x1x1xf32> to vector<4x8x1024xf32>
      %sub3A_74 = arith.subf %reshape3A_69, %sub3A_73 : vector<4x8x1024xf32>
      %exp3A_75 = math.exp %sub3A_74 : vector<4x8x1024xf32>
      %reduce_sum3A_76 = arith.constant dense<0.000000e+00> : vector<4xf32>
      %reduce_sum3A_77 = vector.multi_reduction <add>, %exp3A_75, %reduce_sum3A_76 [1, 2] : vector<4x8x1024xf32> to vector<4xf32>
      %broadcast_in_dim3A_78 = vector.shape_cast %reduce_sum3A_77 : vector<4xf32> to vector<4x1x1xf32>
      %div3A_79 = vector.broadcast %broadcast_in_dim3A_78 : vector<4x1x1xf32> to vector<4x8x1024xf32>
      %div3A_80 = arith.divf %exp3A_75, %div3A_79 : vector<4x8x1024xf32>
      %swap3A_81 = arith.constant 0 : index
      %swap3A_82 = arith.constant 0 : index
      %swap3A_83 = arith.constant 0 : index
      %swap3A_84 = vector.load %arg12[%swap3A_81, %swap3A_82, %swap3A_83] : memref<4x8x1024xf32, #tpu.memory_space<vmem>>, vector<4x8x1024xf32>
      tpu.vector_store %arg12[%swap3A_81, %swap3A_82, %swap3A_83], %div3A_80 {strides = array<i32>} : memref<4x8x1024xf32, #tpu.memory_space<vmem>>, vector<4x8x1024xf32>,
      %iota3A_85 = tpu.iota {dimensions = array<i32: 1>} : vector<4x8x1024xi32>
      %mul3A_86 = arith.constant 1024 : i32
      %mul3A_87 = vector.broadcast %mul3A_86 : i32 to vector<4x8x1024xi32>
      %mul3A_88 = arith.muli %iota3A_85, %mul3A_87 : vector<4x8x1024xi32>
      %iota3A_89 = tpu.iota {dimensions = array<i32: 2>} : vector<4x8x1024xi32>
      %add3A_90 = arith.addi %mul3A_88, %iota3A_89 : vector<4x8x1024xi32>
      %iota3A_91 = tpu.iota {dimensions = array<i32: 1>} : vector<4x64xi32>
      %bitcast_convert_type3A = tpu.bitcast %div3A_80 : vector<4x8x1024xf32> -> vector<4x8x1024xi32>
      %broadcast_in_dim3A_92 = arith.constant 0 : i32
      %broadcast_in_dim3A_93 = vector.broadcast %broadcast_in_dim3A_92 : i32 to vector<4x1x1xi32>
      %add3A_94 = arith.constant 1073741824 : i32
      %add3A_95 = vector.broadcast %add3A_94 : i32 to vector<4x1x1xi32>
      %add3A_96 = arith.addi %broadcast_in_dim3A_93, %add3A_95 : vector<4x1x1xi32>
      %scan3A = arith.constant 0 : i32
      %scan3A_97 = arith.constant 31 : i32
      %scan3A_98 = arith.addi %scan3A, %scan3A_97 : i32
      %scan3A_99 = arith.constant 1 : i32
      %scan3A_100:2 = scf.for %scan3A_1253 = %scan3A to %scan3A_98 step %scan3A_99 iter_args(%scan3A_1254 = %broadcast_in_dim3A_93, %scan3A_1255 = %add3A_96) -> (vector<4x1x1xi32>, vector<4x1x1xi32>)  : i32 {
        %add3A_1256 = arith.addi %scan3A_1254, %scan3A_1255 : vector<4x1x1xi32>
        %shift_right_arithmetic3A = arith.constant 1 : i32
        %shift_right_arithmetic3A_1257 = vector.broadcast %shift_right_arithmetic3A : i32 to vector<4x1x1xi32>
        %shift_right_arithmetic3A_1258 = arith.shrsi %add3A_1256, %shift_right_arithmetic3A_1257 : vector<4x1x1xi32>
        %gt3A_1259 = vector.broadcast %shift_right_arithmetic3A_1258 : vector<4x1x1xi32> to vector<4x8x1024xi32>
        %gt3A_1260 = arith.cmpi sgt, %bitcast_convert_type3A, %gt3A_1259 : vector<4x8x1024xi32>
        %convert_element_type3A_1261 = arith.extui %gt3A_1260 : vector<4x8x1024xi1> to vector<4x8x1024xi32>
        %reduce_sum3A_1262 = arith.constant dense<0> : vector<4xi32>
        %reduce_sum3A_1263 = vector.multi_reduction <add>, %convert_element_type3A_1261, %reduce_sum3A_1262 [1, 2] : vector<4x8x1024xi32> to vector<4xi32>
        %broadcast_in_dim3A_1264 = vector.shape_cast %reduce_sum3A_1263 : vector<4xi32> to vector<4x1x1xi32>
        %ge3A_1265 = vector.broadcast %add3A_64 : i32 to vector<4x1x1xi32>
        %ge3A_1266 = arith.cmpi sge, %broadcast_in_dim3A_1264, %ge3A_1265 : vector<4x1x1xi32>
        %add3A_1267 = arith.constant 1 : i32
        %add3A_1268 = vector.broadcast %add3A_1267 : i32 to vector<4x1x1xi32>
        %add3A_1269 = arith.addi %shift_right_arithmetic3A_1258, %add3A_1268 : vector<4x1x1xi32>
        %select_n3A_1270 = arith.select %ge3A_1266, %add3A_1269, %scan3A_1254 : vector<4x1x1xi1>, vector<4x1x1xi32>
        %ge3A_1271 = vector.broadcast %add3A_64 : i32 to vector<4x1x1xi32>
        %ge3A_1272 = arith.cmpi sge, %broadcast_in_dim3A_1264, %ge3A_1271 : vector<4x1x1xi32>
        %select_n3A_1273 = arith.select %ge3A_1272, %scan3A_1255, %shift_right_arithmetic3A_1258 : vector<4x1x1xi1>, vector<4x1x1xi32>
        scf.yield %select_n3A_1270, %select_n3A_1273 : vector<4x1x1xi32>, vector<4x1x1xi32>
      }
      %eq3A_101 = vector.broadcast %scan3A_100#0 : vector<4x1x1xi32> to vector<4x8x1024xi32>
      %eq3A_102 = arith.cmpi eq, %bitcast_convert_type3A, %eq3A_101 : vector<4x8x1024xi32>
      %gt3A = vector.broadcast %scan3A_100#0 : vector<4x1x1xi32> to vector<4x8x1024xi32>
      %gt3A_103 = arith.cmpi sgt, %bitcast_convert_type3A, %gt3A : vector<4x8x1024xi32>
      %convert_element_type3A_104 = arith.extui %gt3A_103 : vector<4x8x1024xi1> to vector<4x8x1024xi32>
      %reduce_sum3A_105 = arith.constant dense<0> : vector<4xi32>
      %reduce_sum3A_106 = vector.multi_reduction <add>, %convert_element_type3A_104, %reduce_sum3A_105 [1, 2] : vector<4x8x1024xi32> to vector<4xi32>
      %broadcast_in_dim3A_107 = vector.shape_cast %reduce_sum3A_106 : vector<4xi32> to vector<4x1x1xi32>
      %sub3A_108 = vector.broadcast %add3A_64 : i32 to vector<4x1x1xi32>
      %sub3A_109 = arith.subi %sub3A_108, %broadcast_in_dim3A_107 : vector<4x1x1xi32>
      %add3A_110 = arith.constant 8191 : i32
      %add3A_111 = vector.broadcast %add3A_110 : i32 to vector<4x1x1xi32>
      %add3A_112 = arith.addi %broadcast_in_dim3A_93, %add3A_111 : vector<4x1x1xi32>
      %scan3A_113 = arith.constant 0 : i32
      %scan3A_114 = arith.constant 13 : i32
      %scan3A_115 = arith.addi %scan3A_113, %scan3A_114 : i32
      %scan3A_116 = arith.constant 1 : i32
      %scan3A_117:2 = scf.for %scan3A_1253 = %scan3A_113 to %scan3A_115 step %scan3A_116 iter_args(%scan3A_1254 = %broadcast_in_dim3A_93, %scan3A_1255 = %add3A_112) -> (vector<4x1x1xi32>, vector<4x1x1xi32>)  : i32 {
        %add3A_1256 = arith.addi %scan3A_1254, %scan3A_1255 : vector<4x1x1xi32>
        %add3A_1257 = arith.constant 1 : i32
        %add3A_1258 = vector.broadcast %add3A_1257 : i32 to vector<4x1x1xi32>
        %add3A_1259 = arith.addi %add3A_1256, %add3A_1258 : vector<4x1x1xi32>
        %shift_right_arithmetic3A = arith.constant 1 : i32
        %shift_right_arithmetic3A_1260 = vector.broadcast %shift_right_arithmetic3A : i32 to vector<4x1x1xi32>
        %shift_right_arithmetic3A_1261 = arith.shrsi %add3A_1259, %shift_right_arithmetic3A_1260 : vector<4x1x1xi32>
        %ge3A_1262 = vector.broadcast %shift_right_arithmetic3A_1261 : vector<4x1x1xi32> to vector<4x8x1024xi32>
        %ge3A_1263 = arith.cmpi sge, %add3A_90, %ge3A_1262 : vector<4x8x1024xi32>
        %and3A_1264 = arith.andi %eq3A_102, %ge3A_1263 : vector<4x8x1024xi1>
        %convert_element_type3A_1265 = arith.extui %and3A_1264 : vector<4x8x1024xi1> to vector<4x8x1024xi32>
        %reduce_sum3A_1266 = arith.constant dense<0> : vector<4xi32>
        %reduce_sum3A_1267 = vector.multi_reduction <add>, %convert_element_type3A_1265, %reduce_sum3A_1266 [1, 2] : vector<4x8x1024xi32> to vector<4xi32>
        %broadcast_in_dim3A_1268 = vector.shape_cast %reduce_sum3A_1267 : vector<4xi32> to vector<4x1x1xi32>
        %ge3A_1269 = arith.cmpi sge, %broadcast_in_dim3A_1268, %sub3A_109 : vector<4x1x1xi32>
        %select_n3A_1270 = arith.select %ge3A_1269, %shift_right_arithmetic3A_1261, %scan3A_1254 : vector<4x1x1xi1>, vector<4x1x1xi32>
        %ge3A_1271 = arith.cmpi sge, %broadcast_in_dim3A_1268, %sub3A_109 : vector<4x1x1xi32>
        %sub3A_1272 = arith.constant 1 : i32
        %sub3A_1273 = vector.broadcast %sub3A_1272 : i32 to vector<4x1x1xi32>
        %sub3A_1274 = arith.subi %shift_right_arithmetic3A_1261, %sub3A_1273 : vector<4x1x1xi32>
        %select_n3A_1275 = arith.select %ge3A_1271, %scan3A_1255, %sub3A_1274 : vector<4x1x1xi1>, vector<4x1x1xi32>
        scf.yield %select_n3A_1270, %select_n3A_1275 : vector<4x1x1xi32>, vector<4x1x1xi32>
      }
      %gt3A_118 = vector.broadcast %scan3A_100#0 : vector<4x1x1xi32> to vector<4x8x1024xi32>
      %gt3A_119 = arith.cmpi sgt, %bitcast_convert_type3A, %gt3A_118 : vector<4x8x1024xi32>
      %ge3A_120 = vector.broadcast %scan3A_117#0 : vector<4x1x1xi32> to vector<4x8x1024xi32>
      %ge3A_121 = arith.cmpi sge, %add3A_90, %ge3A_120 : vector<4x8x1024xi32>
      %and3A = arith.andi %eq3A_102, %ge3A_121 : vector<4x8x1024xi1>
      %or3A = arith.ori %gt3A_119, %and3A : vector<4x8x1024xi1>
      %get3A_122 = arith.constant 0 : index
      %get3A_123 = arith.constant 0 : index
      %get3A_124 = arith.constant 0 : index
      %get3A_125 = vector.load %arg12[%get3A_122, %get3A_123, %get3A_124] : memref<4x8x1024xf32, #tpu.memory_space<vmem>>, vector<4x8x1024xf32>
      %sub3A_126 = arith.constant 1.000000e+00 : f32
      %sub3A_127 = vector.broadcast %sub3A_126 : f32 to vector<4x8x1024xf32>
      %sub3A_128 = arith.subf %sub3A_127, %get3A_125 : vector<4x8x1024xf32>
      %add3A_129 = arith.addf %sub3A_128, %get3A_125 : vector<4x8x1024xf32>
      %jit3A_130 = arith.constant 0.000000e+00 : f32
      %broadcast_in_dim3A_131 = vector.broadcast %jit3A_130 : f32 to vector<4x8x1024xf32>
      %select_n3A_132 = arith.select %or3A, %add3A_129, %broadcast_in_dim3A_131 : vector<4x8x1024xi1>, vector<4x8x1024xf32>
      %reshape3A_133 = vector.shape_cast %select_n3A_132 : vector<4x8x1024xf32> to vector<4x8192xf32>
      %swap3A_134 = arith.constant 0 : index
      %swap3A_135 = arith.constant 0 : index
      %swap3A_136 = vector.load %arg7[%swap3A_134, %swap3A_135] : memref<4x8192xf32, #tpu.memory_space<vmem>>, vector<4x8192xf32>
      tpu.vector_store %arg7[%swap3A_134, %swap3A_135], %reshape3A_133 {strides = array<i32>} : memref<4x8192xf32, #tpu.memory_space<vmem>>, vector<4x8192xf32>,
      %convert_element_type3A_137 = arith.extui %or3A : vector<4x8x1024xi1> to vector<4x8x1024xi32>
      %reduce_sum3A_138 = arith.constant dense<0> : vector<4x8xi32>
      %reduce_sum3A_139 = vector.multi_reduction <add>, %convert_element_type3A_137, %reduce_sum3A_138 [2] : vector<4x8x1024xi32> to vector<4x8xi32>
      %broadcast_in_dim3A_140 = vector.shape_cast %reduce_sum3A_139 : vector<4x8xi32> to vector<4x8x1xi32>
      %broadcast_in_dim3A_141 = arith.constant 0 : i32
      %broadcast_in_dim3A_142 = vector.broadcast %broadcast_in_dim3A_141 : i32 to vector<4x1x1xi32>
      %slice3A = vector.extract_strided_slice %broadcast_in_dim3A_140 {offsets = [0, 0, 0], sizes = [4, 7, 1], strides = [1, 1, 1]} : vector<4x8x1xi32> to vector<4x7x1xi32>
      %concatenate3A = tpu.concatenate %broadcast_in_dim3A_142, %slice3A in 1 : vector<4x1x1xi32>, vector<4x7x1xi32> -> vector<4x8x1xi32>
      %add3A_143 = arith.addi %broadcast_in_dim3A_140, %concatenate3A : vector<4x8x1xi32>
      %broadcast_in_dim3A_144 = arith.constant 0 : i32
      %broadcast_in_dim3A_145 = vector.broadcast %broadcast_in_dim3A_144 : i32 to vector<4x2x1xi32>
      %slice3A_146 = vector.extract_strided_slice %add3A_143 {offsets = [0, 0, 0], sizes = [4, 6, 1], strides = [1, 1, 1]} : vector<4x8x1xi32> to vector<4x6x1xi32>
      %concatenate3A_147 = tpu.concatenate %broadcast_in_dim3A_145, %slice3A_146 in 1 : vector<4x2x1xi32>, vector<4x6x1xi32> -> vector<4x8x1xi32>
      %add3A_148 = arith.addi %add3A_143, %concatenate3A_147 : vector<4x8x1xi32>
      %broadcast_in_dim3A_149 = arith.constant 0 : i32
      %broadcast_in_dim3A_150 = vector.broadcast %broadcast_in_dim3A_149 : i32 to vector<4x4x1xi32>
      %slice3A_151 = vector.extract_strided_slice %add3A_148 {offsets = [0, 0, 0], sizes = [4, 4, 1], strides = [1, 1, 1]} : vector<4x8x1xi32> to vector<4x4x1xi32>
      %concatenate3A_152 = tpu.concatenate %broadcast_in_dim3A_150, %slice3A_151 in 1 : vector<4x4x1xi32>, vector<4x4x1xi32> -> vector<4x8x1xi32>
      %add3A_153 = arith.addi %add3A_148, %concatenate3A_152 : vector<4x8x1xi32>
      %sub3A_154 = arith.subi %add3A_153, %broadcast_in_dim3A_140 : vector<4x8x1xi32>
      %broadcast_in_dim3A_155 = arith.constant 0 : i32
      %broadcast_in_dim3A_156 = vector.broadcast %broadcast_in_dim3A_155 : i32 to vector<4x8x1xi32>
      %slice3A_157 = vector.extract_strided_slice %convert_element_type3A_137 {offsets = [0, 0, 0], sizes = [4, 8, 1023], strides = [1, 1, 1]} : vector<4x8x1024xi32> to vector<4x8x1023xi32>
      %concatenate3A_158 = tpu.concatenate %broadcast_in_dim3A_156, %slice3A_157 in 2 : vector<4x8x1xi32>, vector<4x8x1023xi32> -> vector<4x8x1024xi32>
      %add3A_159 = arith.addi %convert_element_type3A_137, %concatenate3A_158 : vector<4x8x1024xi32>
      %broadcast_in_dim3A_160 = arith.constant 0 : i32
      %broadcast_in_dim3A_161 = vector.broadcast %broadcast_in_dim3A_160 : i32 to vector<4x8x2xi32>
      %slice3A_162 = vector.extract_strided_slice %add3A_159 {offsets = [0, 0, 0], sizes = [4, 8, 1022], strides = [1, 1, 1]} : vector<4x8x1024xi32> to vector<4x8x1022xi32>
      %concatenate3A_163 = tpu.concatenate %broadcast_in_dim3A_161, %slice3A_162 in 2 : vector<4x8x2xi32>, vector<4x8x1022xi32> -> vector<4x8x1024xi32>
      %add3A_164 = arith.addi %add3A_159, %concatenate3A_163 : vector<4x8x1024xi32>
      %broadcast_in_dim3A_165 = arith.constant 0 : i32
      %broadcast_in_dim3A_166 = vector.broadcast %broadcast_in_dim3A_165 : i32 to vector<4x8x4xi32>
      %slice3A_167 = vector.extract_strided_slice %add3A_164 {offsets = [0, 0, 0], sizes = [4, 8, 1020], strides = [1, 1, 1]} : vector<4x8x1024xi32> to vector<4x8x1020xi32>
      %concatenate3A_168 = tpu.concatenate %broadcast_in_dim3A_166, %slice3A_167 in 2 : vector<4x8x4xi32>, vector<4x8x1020xi32> -> vector<4x8x1024xi32>
      %add3A_169 = arith.addi %add3A_164, %concatenate3A_168 : vector<4x8x1024xi32>
      %broadcast_in_dim3A_170 = arith.constant 0 : i32
      %broadcast_in_dim3A_171 = vector.broadcast %broadcast_in_dim3A_170 : i32 to vector<4x8x8xi32>
      %slice3A_172 = vector.extract_strided_slice %add3A_169 {offsets = [0, 0, 0], sizes = [4, 8, 1016], strides = [1, 1, 1]} : vector<4x8x1024xi32> to vector<4x8x1016xi32>
      %concatenate3A_173 = tpu.concatenate %broadcast_in_dim3A_171, %slice3A_172 in 2 : vector<4x8x8xi32>, vector<4x8x1016xi32> -> vector<4x8x1024xi32>
      %add3A_174 = arith.addi %add3A_169, %concatenate3A_173 : vector<4x8x1024xi32>
      %broadcast_in_dim3A_175 = arith.constant 0 : i32
      %broadcast_in_dim3A_176 = vector.broadcast %broadcast_in_dim3A_175 : i32 to vector<4x8x16xi32>
      %slice3A_177 = vector.extract_strided_slice %add3A_174 {offsets = [0, 0, 0], sizes = [4, 8, 1008], strides = [1, 1, 1]} : vector<4x8x1024xi32> to vector<4x8x1008xi32>
      %concatenate3A_178 = tpu.concatenate %broadcast_in_dim3A_176, %slice3A_177 in 2 : vector<4x8x16xi32>, vector<4x8x1008xi32> -> vector<4x8x1024xi32>
      %add3A_179 = arith.addi %add3A_174, %concatenate3A_178 : vector<4x8x1024xi32>
      %broadcast_in_dim3A_180 = arith.constant 0 : i32
      %broadcast_in_dim3A_181 = vector.broadcast %broadcast_in_dim3A_180 : i32 to vector<4x8x32xi32>
      %slice3A_182 = vector.extract_strided_slice %add3A_179 {offsets = [0, 0, 0], sizes = [4, 8, 992], strides = [1, 1, 1]} : vector<4x8x1024xi32> to vector<4x8x992xi32>
      %concatenate3A_183 = tpu.concatenate %broadcast_in_dim3A_181, %slice3A_182 in 2 : vector<4x8x32xi32>, vector<4x8x992xi32> -> vector<4x8x1024xi32>
      %add3A_184 = arith.addi %add3A_179, %concatenate3A_183 : vector<4x8x1024xi32>
      %broadcast_in_dim3A_185 = arith.constant 0 : i32
      %broadcast_in_dim3A_186 = vector.broadcast %broadcast_in_dim3A_185 : i32 to vector<4x8x64xi32>
      %slice3A_187 = vector.extract_strided_slice %add3A_184 {offsets = [0, 0, 0], sizes = [4, 8, 960], strides = [1, 1, 1]} : vector<4x8x1024xi32> to vector<4x8x960xi32>
      %concatenate3A_188 = tpu.concatenate %broadcast_in_dim3A_186, %slice3A_187 in 2 : vector<4x8x64xi32>, vector<4x8x960xi32> -> vector<4x8x1024xi32>
      %add3A_189 = arith.addi %add3A_184, %concatenate3A_188 : vector<4x8x1024xi32>
      %broadcast_in_dim3A_190 = arith.constant 0 : i32
      %broadcast_in_dim3A_191 = vector.broadcast %broadcast_in_dim3A_190 : i32 to vector<4x8x128xi32>
      %slice3A_192 = vector.extract_strided_slice %add3A_189 {offsets = [0, 0, 0], sizes = [4, 8, 896], strides = [1, 1, 1]} : vector<4x8x1024xi32> to vector<4x8x896xi32>
      %concatenate3A_193 = tpu.concatenate %broadcast_in_dim3A_191, %slice3A_192 in 2 : vector<4x8x128xi32>, vector<4x8x896xi32> -> vector<4x8x1024xi32>
      %add3A_194 = arith.addi %add3A_189, %concatenate3A_193 : vector<4x8x1024xi32>
      %broadcast_in_dim3A_195 = arith.constant 0 : i32
      %broadcast_in_dim3A_196 = vector.broadcast %broadcast_in_dim3A_195 : i32 to vector<4x8x256xi32>
      %slice3A_197 = vector.extract_strided_slice %add3A_194 {offsets = [0, 0, 0], sizes = [4, 8, 768], strides = [1, 1, 1]} : vector<4x8x1024xi32> to vector<4x8x768xi32>
      %concatenate3A_198 = tpu.concatenate %broadcast_in_dim3A_196, %slice3A_197 in 2 : vector<4x8x256xi32>, vector<4x8x768xi32> -> vector<4x8x1024xi32>
      %add3A_199 = arith.addi %add3A_194, %concatenate3A_198 : vector<4x8x1024xi32>
      %broadcast_in_dim3A_200 = arith.constant 0 : i32
      %broadcast_in_dim3A_201 = vector.broadcast %broadcast_in_dim3A_200 : i32 to vector<4x8x512xi32>
      %slice3A_202 = vector.extract_strided_slice %add3A_199 {offsets = [0, 0, 0], sizes = [4, 8, 512], strides = [1, 1, 1]} : vector<4x8x1024xi32> to vector<4x8x512xi32>
      %concatenate3A_203 = tpu.concatenate %broadcast_in_dim3A_201, %slice3A_202 in 2 : vector<4x8x512xi32>, vector<4x8x512xi32> -> vector<4x8x1024xi32>
      %add3A_204 = arith.addi %add3A_199, %concatenate3A_203 : vector<4x8x1024xi32>
      %sub3A_205 = arith.constant 1 : i32
      %sub3A_206 = vector.broadcast %sub3A_205 : i32 to vector<4x8x1024xi32>
      %sub3A_207 = arith.subi %add3A_204, %sub3A_206 : vector<4x8x1024xi32>
      %add3A_208 = vector.broadcast %sub3A_154 : vector<4x8x1xi32> to vector<4x8x1024xi32>
      %add3A_209 = arith.addi %sub3A_207, %add3A_208 : vector<4x8x1024xi32>
      %jit3A_210 = arith.constant -7 : i32
      %broadcast_in_dim3A_211 = vector.broadcast %jit3A_210 : i32 to vector<4x8x1024xi32>
      %select_n3A_212 = arith.select %or3A, %add3A_209, %broadcast_in_dim3A_211 : vector<4x8x1024xi1>, vector<4x8x1024xi32>
      %broadcast_in_dim3A_213 = arith.constant 0 : i32
      %broadcast_in_dim3A_214 = vector.broadcast %broadcast_in_dim3A_213 : i32 to vector<4x64xi32>
      %eq3A_215 = arith.constant 0 : i32
      %eq3A_216 = vector.broadcast %eq3A_215 : i32 to vector<4x8x1024xi32>
      %eq3A_217 = arith.cmpi eq, %select_n3A_212, %eq3A_216 : vector<4x8x1024xi32>
      %jit3A_218 = arith.constant -1 : i32
      %broadcast_in_dim3A_219 = vector.broadcast %jit3A_218 : i32 to vector<4x8x1024xi32>
      %select_n3A_220 = arith.select %eq3A_217, %add3A_90, %broadcast_in_dim3A_219 : vector<4x8x1024xi1>, vector<4x8x1024xi32>
      %reduce_max3A_221 = arith.constant dense<-2147483648> : vector<4xi32>
      %reduce_max3A_222 = vector.multi_reduction <maxsi>, %select_n3A_220, %reduce_max3A_221 [1, 2] : vector<4x8x1024xi32> to vector<4xi32>
      %broadcast_in_dim3A_223 = vector.shape_cast %reduce_max3A_222 : vector<4xi32> to vector<4x1x1xi32>
      %eq3A_224 = arith.constant 0 : i32
      %eq3A_225 = vector.broadcast %eq3A_224 : i32 to vector<4x64xi32>
      %eq3A_226 = arith.cmpi eq, %iota3A_91, %eq3A_225 : vector<4x64xi32>
      %reshape3A_227 = vector.shape_cast %broadcast_in_dim3A_223 : vector<4x1x1xi32> to vector<4x1xi32>
      %broadcast_in_dim3A_228 = vector.shape_cast %reshape3A_227 : vector<4x1xi32> to vector<4x1xi32>
      %broadcast_in_dim3A_229 = vector.broadcast %broadcast_in_dim3A_228 : vector<4x1xi32> to vector<4x64xi32>
      %select_n3A_230 = arith.select %eq3A_226, %broadcast_in_dim3A_229, %broadcast_in_dim3A_214 : vector<4x64xi1>, vector<4x64xi32>
      %eq3A_231 = arith.constant 1 : i32
      %eq3A_232 = vector.broadcast %eq3A_231 : i32 to vector<4x8x1024xi32>
      %eq3A_233 = arith.cmpi eq, %select_n3A_212, %eq3A_232 : vector<4x8x1024xi32>
      %jit3A_234 = arith.constant -1 : i32
      %broadcast_in_dim3A_235 = vector.broadcast %jit3A_234 : i32 to vector<4x8x1024xi32>
      %select_n3A_236 = arith.select %eq3A_233, %add3A_90, %broadcast_in_dim3A_235 : vector<4x8x1024xi1>, vector<4x8x1024xi32>
      %reduce_max3A_237 = arith.constant dense<-2147483648> : vector<4xi32>
      %reduce_max3A_238 = vector.multi_reduction <maxsi>, %select_n3A_236, %reduce_max3A_237 [1, 2] : vector<4x8x1024xi32> to vector<4xi32>
      %broadcast_in_dim3A_239 = vector.shape_cast %reduce_max3A_238 : vector<4xi32> to vector<4x1x1xi32>
      %eq3A_240 = arith.constant 1 : i32
      %eq3A_241 = vector.broadcast %eq3A_240 : i32 to vector<4x64xi32>
      %eq3A_242 = arith.cmpi eq, %iota3A_91, %eq3A_241 : vector<4x64xi32>
      %reshape3A_243 = vector.shape_cast %broadcast_in_dim3A_239 : vector<4x1x1xi32> to vector<4x1xi32>
      %broadcast_in_dim3A_244 = vector.shape_cast %reshape3A_243 : vector<4x1xi32> to vector<4x1xi32>
      %broadcast_in_dim3A_245 = vector.broadcast %broadcast_in_dim3A_244 : vector<4x1xi32> to vector<4x64xi32>
      %select_n3A_246 = arith.select %eq3A_242, %broadcast_in_dim3A_245, %select_n3A_230 : vector<4x64xi1>, vector<4x64xi32>
      %eq3A_247 = arith.constant 2 : i32
      %eq3A_248 = vector.broadcast %eq3A_247 : i32 to vector<4x8x1024xi32>
      %eq3A_249 = arith.cmpi eq, %select_n3A_212, %eq3A_248 : vector<4x8x1024xi32>
      %jit3A_250 = arith.constant -1 : i32
      %broadcast_in_dim3A_251 = vector.broadcast %jit3A_250 : i32 to vector<4x8x1024xi32>
      %select_n3A_252 = arith.select %eq3A_249, %add3A_90, %broadcast_in_dim3A_251 : vector<4x8x1024xi1>, vector<4x8x1024xi32>
      %reduce_max3A_253 = arith.constant dense<-2147483648> : vector<4xi32>
      %reduce_max3A_254 = vector.multi_reduction <maxsi>, %select_n3A_252, %reduce_max3A_253 [1, 2] : vector<4x8x1024xi32> to vector<4xi32>
      %broadcast_in_dim3A_255 = vector.shape_cast %reduce_max3A_254 : vector<4xi32> to vector<4x1x1xi32>
      %eq3A_256 = arith.constant 2 : i32
      %eq3A_257 = vector.broadcast %eq3A_256 : i32 to vector<4x64xi32>
      %eq3A_258 = arith.cmpi eq, %iota3A_91, %eq3A_257 : vector<4x64xi32>
      %reshape3A_259 = vector.shape_cast %broadcast_in_dim3A_255 : vector<4x1x1xi32> to vector<4x1xi32>
      %broadcast_in_dim3A_260 = vector.shape_cast %reshape3A_259 : vector<4x1xi32> to vector<4x1xi32>
      %broadcast_in_dim3A_261 = vector.broadcast %broadcast_in_dim3A_260 : vector<4x1xi32> to vector<4x64xi32>
      %select_n3A_262 = arith.select %eq3A_258, %broadcast_in_dim3A_261, %select_n3A_246 : vector<4x64xi1>, vector<4x64xi32>
      %eq3A_263 = arith.constant 3 : i32
      %eq3A_264 = vector.broadcast %eq3A_263 : i32 to vector<4x8x1024xi32>
      %eq3A_265 = arith.cmpi eq, %select_n3A_212, %eq3A_264 : vector<4x8x1024xi32>
      %jit3A_266 = arith.constant -1 : i32
      %broadcast_in_dim3A_267 = vector.broadcast %jit3A_266 : i32 to vector<4x8x1024xi32>
      %select_n3A_268 = arith.select %eq3A_265, %add3A_90, %broadcast_in_dim3A_267 : vector<4x8x1024xi1>, vector<4x8x1024xi32>
      %reduce_max3A_269 = arith.constant dense<-2147483648> : vector<4xi32>
      %reduce_max3A_270 = vector.multi_reduction <maxsi>, %select_n3A_268, %reduce_max3A_269 [1, 2] : vector<4x8x1024xi32> to vector<4xi32>
      %broadcast_in_dim3A_271 = vector.shape_cast %reduce_max3A_270 : vector<4xi32> to vector<4x1x1xi32>
      %eq3A_272 = arith.constant 3 : i32
      %eq3A_273 = vector.broadcast %eq3A_272 : i32 to vector<4x64xi32>
      %eq3A_274 = arith.cmpi eq, %iota3A_91, %eq3A_273 : vector<4x64xi32>
      %reshape3A_275 = vector.shape_cast %broadcast_in_dim3A_271 : vector<4x1x1xi32> to vector<4x1xi32>
      %broadcast_in_dim3A_276 = vector.shape_cast %reshape3A_275 : vector<4x1xi32> to vector<4x1xi32>
      %broadcast_in_dim3A_277 = vector.broadcast %broadcast_in_dim3A_276 : vector<4x1xi32> to vector<4x64xi32>
      %select_n3A_278 = arith.select %eq3A_274, %broadcast_in_dim3A_277, %select_n3A_262 : vector<4x64xi1>, vector<4x64xi32>
      %eq3A_279 = arith.constant 4 : i32
      %eq3A_280 = vector.broadcast %eq3A_279 : i32 to vector<4x8x1024xi32>
      %eq3A_281 = arith.cmpi eq, %select_n3A_212, %eq3A_280 : vector<4x8x1024xi32>
      %jit3A_282 = arith.constant -1 : i32
      %broadcast_in_dim3A_283 = vector.broadcast %jit3A_282 : i32 to vector<4x8x1024xi32>
      %select_n3A_284 = arith.select %eq3A_281, %add3A_90, %broadcast_in_dim3A_283 : vector<4x8x1024xi1>, vector<4x8x1024xi32>
      %reduce_max3A_285 = arith.constant dense<-2147483648> : vector<4xi32>
      %reduce_max3A_286 = vector.multi_reduction <maxsi>, %select_n3A_284, %reduce_max3A_285 [1, 2] : vector<4x8x1024xi32> to vector<4xi32>
      %broadcast_in_dim3A_287 = vector.shape_cast %reduce_max3A_286 : vector<4xi32> to vector<4x1x1xi32>
      %eq3A_288 = arith.constant 4 : i32
      %eq3A_289 = vector.broadcast %eq3A_288 : i32 to vector<4x64xi32>
      %eq3A_290 = arith.cmpi eq, %iota3A_91, %eq3A_289 : vector<4x64xi32>
      %reshape3A_291 = vector.shape_cast %broadcast_in_dim3A_287 : vector<4x1x1xi32> to vector<4x1xi32>
      %broadcast_in_dim3A_292 = vector.shape_cast %reshape3A_291 : vector<4x1xi32> to vector<4x1xi32>
      %broadcast_in_dim3A_293 = vector.broadcast %broadcast_in_dim3A_292 : vector<4x1xi32> to vector<4x64xi32>
      %select_n3A_294 = arith.select %eq3A_290, %broadcast_in_dim3A_293, %select_n3A_278 : vector<4x64xi1>, vector<4x64xi32>
      %eq3A_295 = arith.constant 5 : i32
      %eq3A_296 = vector.broadcast %eq3A_295 : i32 to vector<4x8x1024xi32>
      %eq3A_297 = arith.cmpi eq, %select_n3A_212, %eq3A_296 : vector<4x8x1024xi32>
      %jit3A_298 = arith.constant -1 : i32
      %broadcast_in_dim3A_299 = vector.broadcast %jit3A_298 : i32 to vector<4x8x1024xi32>
      %select_n3A_300 = arith.select %eq3A_297, %add3A_90, %broadcast_in_dim3A_299 : vector<4x8x1024xi1>, vector<4x8x1024xi32>
      %reduce_max3A_301 = arith.constant dense<-2147483648> : vector<4xi32>
      %reduce_max3A_302 = vector.multi_reduction <maxsi>, %select_n3A_300, %reduce_max3A_301 [1, 2] : vector<4x8x1024xi32> to vector<4xi32>
      %broadcast_in_dim3A_303 = vector.shape_cast %reduce_max3A_302 : vector<4xi32> to vector<4x1x1xi32>
      %eq3A_304 = arith.constant 5 : i32
      %eq3A_305 = vector.broadcast %eq3A_304 : i32 to vector<4x64xi32>
      %eq3A_306 = arith.cmpi eq, %iota3A_91, %eq3A_305 : vector<4x64xi32>
      %reshape3A_307 = vector.shape_cast %broadcast_in_dim3A_303 : vector<4x1x1xi32> to vector<4x1xi32>
      %broadcast_in_dim3A_308 = vector.shape_cast %reshape3A_307 : vector<4x1xi32> to vector<4x1xi32>
      %broadcast_in_dim3A_309 = vector.broadcast %broadcast_in_dim3A_308 : vector<4x1xi32> to vector<4x64xi32>
      %select_n3A_310 = arith.select %eq3A_306, %broadcast_in_dim3A_309, %select_n3A_294 : vector<4x64xi1>, vector<4x64xi32>
      %eq3A_311 = arith.constant 6 : i32
      %eq3A_312 = vector.broadcast %eq3A_311 : i32 to vector<4x8x1024xi32>
      %eq3A_313 = arith.cmpi eq, %select_n3A_212, %eq3A_312 : vector<4x8x1024xi32>
      %jit3A_314 = arith.constant -1 : i32
      %broadcast_in_dim3A_315 = vector.broadcast %jit3A_314 : i32 to vector<4x8x1024xi32>
      %select_n3A_316 = arith.select %eq3A_313, %add3A_90, %broadcast_in_dim3A_315 : vector<4x8x1024xi1>, vector<4x8x1024xi32>
      %reduce_max3A_317 = arith.constant dense<-2147483648> : vector<4xi32>
      %reduce_max3A_318 = vector.multi_reduction <maxsi>, %select_n3A_316, %reduce_max3A_317 [1, 2] : vector<4x8x1024xi32> to vector<4xi32>
      %broadcast_in_dim3A_319 = vector.shape_cast %reduce_max3A_318 : vector<4xi32> to vector<4x1x1xi32>
      %eq3A_320 = arith.constant 6 : i32
      %eq3A_321 = vector.broadcast %eq3A_320 : i32 to vector<4x64xi32>
      %eq3A_322 = arith.cmpi eq, %iota3A_91, %eq3A_321 : vector<4x64xi32>
      %reshape3A_323 = vector.shape_cast %broadcast_in_dim3A_319 : vector<4x1x1xi32> to vector<4x1xi32>
      %broadcast_in_dim3A_324 = vector.shape_cast %reshape3A_323 : vector<4x1xi32> to vector<4x1xi32>
      %broadcast_in_dim3A_325 = vector.broadcast %broadcast_in_dim3A_324 : vector<4x1xi32> to vector<4x64xi32>
      %select_n3A_326 = arith.select %eq3A_322, %broadcast_in_dim3A_325, %select_n3A_310 : vector<4x64xi1>, vector<4x64xi32>
      %eq3A_327 = arith.constant 7 : i32
      %eq3A_328 = vector.broadcast %eq3A_327 : i32 to vector<4x8x1024xi32>
      %eq3A_329 = arith.cmpi eq, %select_n3A_212, %eq3A_328 : vector<4x8x1024xi32>
      %jit3A_330 = arith.constant -1 : i32
      %broadcast_in_dim3A_331 = vector.broadcast %jit3A_330 : i32 to vector<4x8x1024xi32>
      %select_n3A_332 = arith.select %eq3A_329, %add3A_90, %broadcast_in_dim3A_331 : vector<4x8x1024xi1>, vector<4x8x1024xi32>
      %reduce_max3A_333 = arith.constant dense<-2147483648> : vector<4xi32>
      %reduce_max3A_334 = vector.multi_reduction <maxsi>, %select_n3A_332, %reduce_max3A_333 [1, 2] : vector<4x8x1024xi32> to vector<4xi32>
      %broadcast_in_dim3A_335 = vector.shape_cast %reduce_max3A_334 : vector<4xi32> to vector<4x1x1xi32>
      %eq3A_336 = arith.constant 7 : i32
      %eq3A_337 = vector.broadcast %eq3A_336 : i32 to vector<4x64xi32>
      %eq3A_338 = arith.cmpi eq, %iota3A_91, %eq3A_337 : vector<4x64xi32>
      %reshape3A_339 = vector.shape_cast %broadcast_in_dim3A_335 : vector<4x1x1xi32> to vector<4x1xi32>
      %broadcast_in_dim3A_340 = vector.shape_cast %reshape3A_339 : vector<4x1xi32> to vector<4x1xi32>
      %broadcast_in_dim3A_341 = vector.broadcast %broadcast_in_dim3A_340 : vector<4x1xi32> to vector<4x64xi32>
      %select_n3A_342 = arith.select %eq3A_338, %broadcast_in_dim3A_341, %select_n3A_326 : vector<4x64xi1>, vector<4x64xi32>
      %eq3A_343 = arith.constant 8 : i32
      %eq3A_344 = vector.broadcast %eq3A_343 : i32 to vector<4x8x1024xi32>
      %eq3A_345 = arith.cmpi eq, %select_n3A_212, %eq3A_344 : vector<4x8x1024xi32>
      %jit3A_346 = arith.constant -1 : i32
      %broadcast_in_dim3A_347 = vector.broadcast %jit3A_346 : i32 to vector<4x8x1024xi32>
      %select_n3A_348 = arith.select %eq3A_345, %add3A_90, %broadcast_in_dim3A_347 : vector<4x8x1024xi1>, vector<4x8x1024xi32>
      %reduce_max3A_349 = arith.constant dense<-2147483648> : vector<4xi32>
      %reduce_max3A_350 = vector.multi_reduction <maxsi>, %select_n3A_348, %reduce_max3A_349 [1, 2] : vector<4x8x1024xi32> to vector<4xi32>
      %broadcast_in_dim3A_351 = vector.shape_cast %reduce_max3A_350 : vector<4xi32> to vector<4x1x1xi32>
      %eq3A_352 = arith.constant 8 : i32
      %eq3A_353 = vector.broadcast %eq3A_352 : i32 to vector<4x64xi32>
      %eq3A_354 = arith.cmpi eq, %iota3A_91, %eq3A_353 : vector<4x64xi32>
      %reshape3A_355 = vector.shape_cast %broadcast_in_dim3A_351 : vector<4x1x1xi32> to vector<4x1xi32>
      %broadcast_in_dim3A_356 = vector.shape_cast %reshape3A_355 : vector<4x1xi32> to vector<4x1xi32>
      %broadcast_in_dim3A_357 = vector.broadcast %broadcast_in_dim3A_356 : vector<4x1xi32> to vector<4x64xi32>
      %select_n3A_358 = arith.select %eq3A_354, %broadcast_in_dim3A_357, %select_n3A_342 : vector<4x64xi1>, vector<4x64xi32>
      %eq3A_359 = arith.constant 9 : i32
      %eq3A_360 = vector.broadcast %eq3A_359 : i32 to vector<4x8x1024xi32>
      %eq3A_361 = arith.cmpi eq, %select_n3A_212, %eq3A_360 : vector<4x8x1024xi32>
      %jit3A_362 = arith.constant -1 : i32
      %broadcast_in_dim3A_363 = vector.broadcast %jit3A_362 : i32 to vector<4x8x1024xi32>
      %select_n3A_364 = arith.select %eq3A_361, %add3A_90, %broadcast_in_dim3A_363 : vector<4x8x1024xi1>, vector<4x8x1024xi32>
      %reduce_max3A_365 = arith.constant dense<-2147483648> : vector<4xi32>
      %reduce_max3A_366 = vector.multi_reduction <maxsi>, %select_n3A_364, %reduce_max3A_365 [1, 2] : vector<4x8x1024xi32> to vector<4xi32>
      %broadcast_in_dim3A_367 = vector.shape_cast %reduce_max3A_366 : vector<4xi32> to vector<4x1x1xi32>
      %eq3A_368 = arith.constant 9 : i32
      %eq3A_369 = vector.broadcast %eq3A_368 : i32 to vector<4x64xi32>
      %eq3A_370 = arith.cmpi eq, %iota3A_91, %eq3A_369 : vector<4x64xi32>
      %reshape3A_371 = vector.shape_cast %broadcast_in_dim3A_367 : vector<4x1x1xi32> to vector<4x1xi32>
      %broadcast_in_dim3A_372 = vector.shape_cast %reshape3A_371 : vector<4x1xi32> to vector<4x1xi32>
      %broadcast_in_dim3A_373 = vector.broadcast %broadcast_in_dim3A_372 : vector<4x1xi32> to vector<4x64xi32>
      %select_n3A_374 = arith.select %eq3A_370, %broadcast_in_dim3A_373, %select_n3A_358 : vector<4x64xi1>, vector<4x64xi32>
      %eq3A_375 = arith.constant 10 : i32
      %eq3A_376 = vector.broadcast %eq3A_375 : i32 to vector<4x8x1024xi32>
      %eq3A_377 = arith.cmpi eq, %select_n3A_212, %eq3A_376 : vector<4x8x1024xi32>
      %jit3A_378 = arith.constant -1 : i32
      %broadcast_in_dim3A_379 = vector.broadcast %jit3A_378 : i32 to vector<4x8x1024xi32>
      %select_n3A_380 = arith.select %eq3A_377, %add3A_90, %broadcast_in_dim3A_379 : vector<4x8x1024xi1>, vector<4x8x1024xi32>
      %reduce_max3A_381 = arith.constant dense<-2147483648> : vector<4xi32>
      %reduce_max3A_382 = vector.multi_reduction <maxsi>, %select_n3A_380, %reduce_max3A_381 [1, 2] : vector<4x8x1024xi32> to vector<4xi32>
      %broadcast_in_dim3A_383 = vector.shape_cast %reduce_max3A_382 : vector<4xi32> to vector<4x1x1xi32>
      %eq3A_384 = arith.constant 10 : i32
      %eq3A_385 = vector.broadcast %eq3A_384 : i32 to vector<4x64xi32>
      %eq3A_386 = arith.cmpi eq, %iota3A_91, %eq3A_385 : vector<4x64xi32>
      %reshape3A_387 = vector.shape_cast %broadcast_in_dim3A_383 : vector<4x1x1xi32> to vector<4x1xi32>
      %broadcast_in_dim3A_388 = vector.shape_cast %reshape3A_387 : vector<4x1xi32> to vector<4x1xi32>
      %broadcast_in_dim3A_389 = vector.broadcast %broadcast_in_dim3A_388 : vector<4x1xi32> to vector<4x64xi32>
      %select_n3A_390 = arith.select %eq3A_386, %broadcast_in_dim3A_389, %select_n3A_374 : vector<4x64xi1>, vector<4x64xi32>
      %eq3A_391 = arith.constant 11 : i32
      %eq3A_392 = vector.broadcast %eq3A_391 : i32 to vector<4x8x1024xi32>
      %eq3A_393 = arith.cmpi eq, %select_n3A_212, %eq3A_392 : vector<4x8x1024xi32>
      %jit3A_394 = arith.constant -1 : i32
      %broadcast_in_dim3A_395 = vector.broadcast %jit3A_394 : i32 to vector<4x8x1024xi32>
      %select_n3A_396 = arith.select %eq3A_393, %add3A_90, %broadcast_in_dim3A_395 : vector<4x8x1024xi1>, vector<4x8x1024xi32>
      %reduce_max3A_397 = arith.constant dense<-2147483648> : vector<4xi32>
      %reduce_max3A_398 = vector.multi_reduction <maxsi>, %select_n3A_396, %reduce_max3A_397 [1, 2] : vector<4x8x1024xi32> to vector<4xi32>
      %broadcast_in_dim3A_399 = vector.shape_cast %reduce_max3A_398 : vector<4xi32> to vector<4x1x1xi32>
      %eq3A_400 = arith.constant 11 : i32
      %eq3A_401 = vector.broadcast %eq3A_400 : i32 to vector<4x64xi32>
      %eq3A_402 = arith.cmpi eq, %iota3A_91, %eq3A_401 : vector<4x64xi32>
      %reshape3A_403 = vector.shape_cast %broadcast_in_dim3A_399 : vector<4x1x1xi32> to vector<4x1xi32>
      %broadcast_in_dim3A_404 = vector.shape_cast %reshape3A_403 : vector<4x1xi32> to vector<4x1xi32>
      %broadcast_in_dim3A_405 = vector.broadcast %broadcast_in_dim3A_404 : vector<4x1xi32> to vector<4x64xi32>
      %select_n3A_406 = arith.select %eq3A_402, %broadcast_in_dim3A_405, %select_n3A_390 : vector<4x64xi1>, vector<4x64xi32>
      %eq3A_407 = arith.constant 12 : i32
      %eq3A_408 = vector.broadcast %eq3A_407 : i32 to vector<4x8x1024xi32>
      %eq3A_409 = arith.cmpi eq, %select_n3A_212, %eq3A_408 : vector<4x8x1024xi32>
      %jit3A_410 = arith.constant -1 : i32
      %broadcast_in_dim3A_411 = vector.broadcast %jit3A_410 : i32 to vector<4x8x1024xi32>
      %select_n3A_412 = arith.select %eq3A_409, %add3A_90, %broadcast_in_dim3A_411 : vector<4x8x1024xi1>, vector<4x8x1024xi32>
      %reduce_max3A_413 = arith.constant dense<-2147483648> : vector<4xi32>
      %reduce_max3A_414 = vector.multi_reduction <maxsi>, %select_n3A_412, %reduce_max3A_413 [1, 2] : vector<4x8x1024xi32> to vector<4xi32>
      %broadcast_in_dim3A_415 = vector.shape_cast %reduce_max3A_414 : vector<4xi32> to vector<4x1x1xi32>
      %eq3A_416 = arith.constant 12 : i32
      %eq3A_417 = vector.broadcast %eq3A_416 : i32 to vector<4x64xi32>
      %eq3A_418 = arith.cmpi eq, %iota3A_91, %eq3A_417 : vector<4x64xi32>
      %reshape3A_419 = vector.shape_cast %broadcast_in_dim3A_415 : vector<4x1x1xi32> to vector<4x1xi32>
      %broadcast_in_dim3A_420 = vector.shape_cast %reshape3A_419 : vector<4x1xi32> to vector<4x1xi32>
      %broadcast_in_dim3A_421 = vector.broadcast %broadcast_in_dim3A_420 : vector<4x1xi32> to vector<4x64xi32>
      %select_n3A_422 = arith.select %eq3A_418, %broadcast_in_dim3A_421, %select_n3A_406 : vector<4x64xi1>, vector<4x64xi32>
      %eq3A_423 = arith.constant 13 : i32
      %eq3A_424 = vector.broadcast %eq3A_423 : i32 to vector<4x8x1024xi32>
      %eq3A_425 = arith.cmpi eq, %select_n3A_212, %eq3A_424 : vector<4x8x1024xi32>
      %jit3A_426 = arith.constant -1 : i32
      %broadcast_in_dim3A_427 = vector.broadcast %jit3A_426 : i32 to vector<4x8x1024xi32>
      %select_n3A_428 = arith.select %eq3A_425, %add3A_90, %broadcast_in_dim3A_427 : vector<4x8x1024xi1>, vector<4x8x1024xi32>
      %reduce_max3A_429 = arith.constant dense<-2147483648> : vector<4xi32>
      %reduce_max3A_430 = vector.multi_reduction <maxsi>, %select_n3A_428, %reduce_max3A_429 [1, 2] : vector<4x8x1024xi32> to vector<4xi32>
      %broadcast_in_dim3A_431 = vector.shape_cast %reduce_max3A_430 : vector<4xi32> to vector<4x1x1xi32>
      %eq3A_432 = arith.constant 13 : i32
      %eq3A_433 = vector.broadcast %eq3A_432 : i32 to vector<4x64xi32>
      %eq3A_434 = arith.cmpi eq, %iota3A_91, %eq3A_433 : vector<4x64xi32>
      %reshape3A_435 = vector.shape_cast %broadcast_in_dim3A_431 : vector<4x1x1xi32> to vector<4x1xi32>
      %broadcast_in_dim3A_436 = vector.shape_cast %reshape3A_435 : vector<4x1xi32> to vector<4x1xi32>
      %broadcast_in_dim3A_437 = vector.broadcast %broadcast_in_dim3A_436 : vector<4x1xi32> to vector<4x64xi32>
      %select_n3A_438 = arith.select %eq3A_434, %broadcast_in_dim3A_437, %select_n3A_422 : vector<4x64xi1>, vector<4x64xi32>
      %eq3A_439 = arith.constant 14 : i32
      %eq3A_440 = vector.broadcast %eq3A_439 : i32 to vector<4x8x1024xi32>
      %eq3A_441 = arith.cmpi eq, %select_n3A_212, %eq3A_440 : vector<4x8x1024xi32>
      %jit3A_442 = arith.constant -1 : i32
      %broadcast_in_dim3A_443 = vector.broadcast %jit3A_442 : i32 to vector<4x8x1024xi32>
      %select_n3A_444 = arith.select %eq3A_441, %add3A_90, %broadcast_in_dim3A_443 : vector<4x8x1024xi1>, vector<4x8x1024xi32>
      %reduce_max3A_445 = arith.constant dense<-2147483648> : vector<4xi32>
      %reduce_max3A_446 = vector.multi_reduction <maxsi>, %select_n3A_444, %reduce_max3A_445 [1, 2] : vector<4x8x1024xi32> to vector<4xi32>
      %broadcast_in_dim3A_447 = vector.shape_cast %reduce_max3A_446 : vector<4xi32> to vector<4x1x1xi32>
      %eq3A_448 = arith.constant 14 : i32
      %eq3A_449 = vector.broadcast %eq3A_448 : i32 to vector<4x64xi32>
      %eq3A_450 = arith.cmpi eq, %iota3A_91, %eq3A_449 : vector<4x64xi32>
      %reshape3A_451 = vector.shape_cast %broadcast_in_dim3A_447 : vector<4x1x1xi32> to vector<4x1xi32>
      %broadcast_in_dim3A_452 = vector.shape_cast %reshape3A_451 : vector<4x1xi32> to vector<4x1xi32>
      %broadcast_in_dim3A_453 = vector.broadcast %broadcast_in_dim3A_452 : vector<4x1xi32> to vector<4x64xi32>
      %select_n3A_454 = arith.select %eq3A_450, %broadcast_in_dim3A_453, %select_n3A_438 : vector<4x64xi1>, vector<4x64xi32>
      %eq3A_455 = arith.constant 15 : i32
      %eq3A_456 = vector.broadcast %eq3A_455 : i32 to vector<4x8x1024xi32>
      %eq3A_457 = arith.cmpi eq, %select_n3A_212, %eq3A_456 : vector<4x8x1024xi32>
      %jit3A_458 = arith.constant -1 : i32
      %broadcast_in_dim3A_459 = vector.broadcast %jit3A_458 : i32 to vector<4x8x1024xi32>
      %select_n3A_460 = arith.select %eq3A_457, %add3A_90, %broadcast_in_dim3A_459 : vector<4x8x1024xi1>, vector<4x8x1024xi32>
      %reduce_max3A_461 = arith.constant dense<-2147483648> : vector<4xi32>
      %reduce_max3A_462 = vector.multi_reduction <maxsi>, %select_n3A_460, %reduce_max3A_461 [1, 2] : vector<4x8x1024xi32> to vector<4xi32>
      %broadcast_in_dim3A_463 = vector.shape_cast %reduce_max3A_462 : vector<4xi32> to vector<4x1x1xi32>
      %eq3A_464 = arith.constant 15 : i32
      %eq3A_465 = vector.broadcast %eq3A_464 : i32 to vector<4x64xi32>
      %eq3A_466 = arith.cmpi eq, %iota3A_91, %eq3A_465 : vector<4x64xi32>
      %reshape3A_467 = vector.shape_cast %broadcast_in_dim3A_463 : vector<4x1x1xi32> to vector<4x1xi32>
      %broadcast_in_dim3A_468 = vector.shape_cast %reshape3A_467 : vector<4x1xi32> to vector<4x1xi32>
      %broadcast_in_dim3A_469 = vector.broadcast %broadcast_in_dim3A_468 : vector<4x1xi32> to vector<4x64xi32>
      %select_n3A_470 = arith.select %eq3A_466, %broadcast_in_dim3A_469, %select_n3A_454 : vector<4x64xi1>, vector<4x64xi32>
      %eq3A_471 = arith.constant 16 : i32
      %eq3A_472 = vector.broadcast %eq3A_471 : i32 to vector<4x8x1024xi32>
      %eq3A_473 = arith.cmpi eq, %select_n3A_212, %eq3A_472 : vector<4x8x1024xi32>
      %jit3A_474 = arith.constant -1 : i32
      %broadcast_in_dim3A_475 = vector.broadcast %jit3A_474 : i32 to vector<4x8x1024xi32>
      %select_n3A_476 = arith.select %eq3A_473, %add3A_90, %broadcast_in_dim3A_475 : vector<4x8x1024xi1>, vector<4x8x1024xi32>
      %reduce_max3A_477 = arith.constant dense<-2147483648> : vector<4xi32>
      %reduce_max3A_478 = vector.multi_reduction <maxsi>, %select_n3A_476, %reduce_max3A_477 [1, 2] : vector<4x8x1024xi32> to vector<4xi32>
      %broadcast_in_dim3A_479 = vector.shape_cast %reduce_max3A_478 : vector<4xi32> to vector<4x1x1xi32>
      %eq3A_480 = arith.constant 16 : i32
      %eq3A_481 = vector.broadcast %eq3A_480 : i32 to vector<4x64xi32>
      %eq3A_482 = arith.cmpi eq, %iota3A_91, %eq3A_481 : vector<4x64xi32>
      %reshape3A_483 = vector.shape_cast %broadcast_in_dim3A_479 : vector<4x1x1xi32> to vector<4x1xi32>
      %broadcast_in_dim3A_484 = vector.shape_cast %reshape3A_483 : vector<4x1xi32> to vector<4x1xi32>
      %broadcast_in_dim3A_485 = vector.broadcast %broadcast_in_dim3A_484 : vector<4x1xi32> to vector<4x64xi32>
      %select_n3A_486 = arith.select %eq3A_482, %broadcast_in_dim3A_485, %select_n3A_470 : vector<4x64xi1>, vector<4x64xi32>
      %eq3A_487 = arith.constant 17 : i32
      %eq3A_488 = vector.broadcast %eq3A_487 : i32 to vector<4x8x1024xi32>
      %eq3A_489 = arith.cmpi eq, %select_n3A_212, %eq3A_488 : vector<4x8x1024xi32>
      %jit3A_490 = arith.constant -1 : i32
      %broadcast_in_dim3A_491 = vector.broadcast %jit3A_490 : i32 to vector<4x8x1024xi32>
      %select_n3A_492 = arith.select %eq3A_489, %add3A_90, %broadcast_in_dim3A_491 : vector<4x8x1024xi1>, vector<4x8x1024xi32>
      %reduce_max3A_493 = arith.constant dense<-2147483648> : vector<4xi32>
      %reduce_max3A_494 = vector.multi_reduction <maxsi>, %select_n3A_492, %reduce_max3A_493 [1, 2] : vector<4x8x1024xi32> to vector<4xi32>
      %broadcast_in_dim3A_495 = vector.shape_cast %reduce_max3A_494 : vector<4xi32> to vector<4x1x1xi32>
      %eq3A_496 = arith.constant 17 : i32
      %eq3A_497 = vector.broadcast %eq3A_496 : i32 to vector<4x64xi32>
      %eq3A_498 = arith.cmpi eq, %iota3A_91, %eq3A_497 : vector<4x64xi32>
      %reshape3A_499 = vector.shape_cast %broadcast_in_dim3A_495 : vector<4x1x1xi32> to vector<4x1xi32>
      %broadcast_in_dim3A_500 = vector.shape_cast %reshape3A_499 : vector<4x1xi32> to vector<4x1xi32>
      %broadcast_in_dim3A_501 = vector.broadcast %broadcast_in_dim3A_500 : vector<4x1xi32> to vector<4x64xi32>
      %select_n3A_502 = arith.select %eq3A_498, %broadcast_in_dim3A_501, %select_n3A_486 : vector<4x64xi1>, vector<4x64xi32>
      %eq3A_503 = arith.constant 18 : i32
      %eq3A_504 = vector.broadcast %eq3A_503 : i32 to vector<4x8x1024xi32>
      %eq3A_505 = arith.cmpi eq, %select_n3A_212, %eq3A_504 : vector<4x8x1024xi32>
      %jit3A_506 = arith.constant -1 : i32
      %broadcast_in_dim3A_507 = vector.broadcast %jit3A_506 : i32 to vector<4x8x1024xi32>
      %select_n3A_508 = arith.select %eq3A_505, %add3A_90, %broadcast_in_dim3A_507 : vector<4x8x1024xi1>, vector<4x8x1024xi32>
      %reduce_max3A_509 = arith.constant dense<-2147483648> : vector<4xi32>
      %reduce_max3A_510 = vector.multi_reduction <maxsi>, %select_n3A_508, %reduce_max3A_509 [1, 2] : vector<4x8x1024xi32> to vector<4xi32>
      %broadcast_in_dim3A_511 = vector.shape_cast %reduce_max3A_510 : vector<4xi32> to vector<4x1x1xi32>
      %eq3A_512 = arith.constant 18 : i32
      %eq3A_513 = vector.broadcast %eq3A_512 : i32 to vector<4x64xi32>
      %eq3A_514 = arith.cmpi eq, %iota3A_91, %eq3A_513 : vector<4x64xi32>
      %reshape3A_515 = vector.shape_cast %broadcast_in_dim3A_511 : vector<4x1x1xi32> to vector<4x1xi32>
      %broadcast_in_dim3A_516 = vector.shape_cast %reshape3A_515 : vector<4x1xi32> to vector<4x1xi32>
      %broadcast_in_dim3A_517 = vector.broadcast %broadcast_in_dim3A_516 : vector<4x1xi32> to vector<4x64xi32>
      %select_n3A_518 = arith.select %eq3A_514, %broadcast_in_dim3A_517, %select_n3A_502 : vector<4x64xi1>, vector<4x64xi32>
      %eq3A_519 = arith.constant 19 : i32
      %eq3A_520 = vector.broadcast %eq3A_519 : i32 to vector<4x8x1024xi32>
      %eq3A_521 = arith.cmpi eq, %select_n3A_212, %eq3A_520 : vector<4x8x1024xi32>
      %jit3A_522 = arith.constant -1 : i32
      %broadcast_in_dim3A_523 = vector.broadcast %jit3A_522 : i32 to vector<4x8x1024xi32>
      %select_n3A_524 = arith.select %eq3A_521, %add3A_90, %broadcast_in_dim3A_523 : vector<4x8x1024xi1>, vector<4x8x1024xi32>
      %reduce_max3A_525 = arith.constant dense<-2147483648> : vector<4xi32>
      %reduce_max3A_526 = vector.multi_reduction <maxsi>, %select_n3A_524, %reduce_max3A_525 [1, 2] : vector<4x8x1024xi32> to vector<4xi32>
      %broadcast_in_dim3A_527 = vector.shape_cast %reduce_max3A_526 : vector<4xi32> to vector<4x1x1xi32>
      %eq3A_528 = arith.constant 19 : i32
      %eq3A_529 = vector.broadcast %eq3A_528 : i32 to vector<4x64xi32>
      %eq3A_530 = arith.cmpi eq, %iota3A_91, %eq3A_529 : vector<4x64xi32>
      %reshape3A_531 = vector.shape_cast %broadcast_in_dim3A_527 : vector<4x1x1xi32> to vector<4x1xi32>
      %broadcast_in_dim3A_532 = vector.shape_cast %reshape3A_531 : vector<4x1xi32> to vector<4x1xi32>
      %broadcast_in_dim3A_533 = vector.broadcast %broadcast_in_dim3A_532 : vector<4x1xi32> to vector<4x64xi32>
      %select_n3A_534 = arith.select %eq3A_530, %broadcast_in_dim3A_533, %select_n3A_518 : vector<4x64xi1>, vector<4x64xi32>
      %eq3A_535 = arith.constant 20 : i32
      %eq3A_536 = vector.broadcast %eq3A_535 : i32 to vector<4x8x1024xi32>
      %eq3A_537 = arith.cmpi eq, %select_n3A_212, %eq3A_536 : vector<4x8x1024xi32>
      %jit3A_538 = arith.constant -1 : i32
      %broadcast_in_dim3A_539 = vector.broadcast %jit3A_538 : i32 to vector<4x8x1024xi32>
      %select_n3A_540 = arith.select %eq3A_537, %add3A_90, %broadcast_in_dim3A_539 : vector<4x8x1024xi1>, vector<4x8x1024xi32>
      %reduce_max3A_541 = arith.constant dense<-2147483648> : vector<4xi32>
      %reduce_max3A_542 = vector.multi_reduction <maxsi>, %select_n3A_540, %reduce_max3A_541 [1, 2] : vector<4x8x1024xi32> to vector<4xi32>
      %broadcast_in_dim3A_543 = vector.shape_cast %reduce_max3A_542 : vector<4xi32> to vector<4x1x1xi32>
      %eq3A_544 = arith.constant 20 : i32
      %eq3A_545 = vector.broadcast %eq3A_544 : i32 to vector<4x64xi32>
      %eq3A_546 = arith.cmpi eq, %iota3A_91, %eq3A_545 : vector<4x64xi32>
      %reshape3A_547 = vector.shape_cast %broadcast_in_dim3A_543 : vector<4x1x1xi32> to vector<4x1xi32>
      %broadcast_in_dim3A_548 = vector.shape_cast %reshape3A_547 : vector<4x1xi32> to vector<4x1xi32>
      %broadcast_in_dim3A_549 = vector.broadcast %broadcast_in_dim3A_548 : vector<4x1xi32> to vector<4x64xi32>
      %select_n3A_550 = arith.select %eq3A_546, %broadcast_in_dim3A_549, %select_n3A_534 : vector<4x64xi1>, vector<4x64xi32>
      %eq3A_551 = arith.constant 21 : i32
      %eq3A_552 = vector.broadcast %eq3A_551 : i32 to vector<4x8x1024xi32>
      %eq3A_553 = arith.cmpi eq, %select_n3A_212, %eq3A_552 : vector<4x8x1024xi32>
      %jit3A_554 = arith.constant -1 : i32
      %broadcast_in_dim3A_555 = vector.broadcast %jit3A_554 : i32 to vector<4x8x1024xi32>
      %select_n3A_556 = arith.select %eq3A_553, %add3A_90, %broadcast_in_dim3A_555 : vector<4x8x1024xi1>, vector<4x8x1024xi32>
      %reduce_max3A_557 = arith.constant dense<-2147483648> : vector<4xi32>
      %reduce_max3A_558 = vector.multi_reduction <maxsi>, %select_n3A_556, %reduce_max3A_557 [1, 2] : vector<4x8x1024xi32> to vector<4xi32>
      %broadcast_in_dim3A_559 = vector.shape_cast %reduce_max3A_558 : vector<4xi32> to vector<4x1x1xi32>
      %eq3A_560 = arith.constant 21 : i32
      %eq3A_561 = vector.broadcast %eq3A_560 : i32 to vector<4x64xi32>
      %eq3A_562 = arith.cmpi eq, %iota3A_91, %eq3A_561 : vector<4x64xi32>
      %reshape3A_563 = vector.shape_cast %broadcast_in_dim3A_559 : vector<4x1x1xi32> to vector<4x1xi32>
      %broadcast_in_dim3A_564 = vector.shape_cast %reshape3A_563 : vector<4x1xi32> to vector<4x1xi32>
      %broadcast_in_dim3A_565 = vector.broadcast %broadcast_in_dim3A_564 : vector<4x1xi32> to vector<4x64xi32>
      %select_n3A_566 = arith.select %eq3A_562, %broadcast_in_dim3A_565, %select_n3A_550 : vector<4x64xi1>, vector<4x64xi32>
      %eq3A_567 = arith.constant 22 : i32
      %eq3A_568 = vector.broadcast %eq3A_567 : i32 to vector<4x8x1024xi32>
      %eq3A_569 = arith.cmpi eq, %select_n3A_212, %eq3A_568 : vector<4x8x1024xi32>
      %jit3A_570 = arith.constant -1 : i32
      %broadcast_in_dim3A_571 = vector.broadcast %jit3A_570 : i32 to vector<4x8x1024xi32>
      %select_n3A_572 = arith.select %eq3A_569, %add3A_90, %broadcast_in_dim3A_571 : vector<4x8x1024xi1>, vector<4x8x1024xi32>
      %reduce_max3A_573 = arith.constant dense<-2147483648> : vector<4xi32>
      %reduce_max3A_574 = vector.multi_reduction <maxsi>, %select_n3A_572, %reduce_max3A_573 [1, 2] : vector<4x8x1024xi32> to vector<4xi32>
      %broadcast_in_dim3A_575 = vector.shape_cast %reduce_max3A_574 : vector<4xi32> to vector<4x1x1xi32>
      %eq3A_576 = arith.constant 22 : i32
      %eq3A_577 = vector.broadcast %eq3A_576 : i32 to vector<4x64xi32>
      %eq3A_578 = arith.cmpi eq, %iota3A_91, %eq3A_577 : vector<4x64xi32>
      %reshape3A_579 = vector.shape_cast %broadcast_in_dim3A_575 : vector<4x1x1xi32> to vector<4x1xi32>
      %broadcast_in_dim3A_580 = vector.shape_cast %reshape3A_579 : vector<4x1xi32> to vector<4x1xi32>
      %broadcast_in_dim3A_581 = vector.broadcast %broadcast_in_dim3A_580 : vector<4x1xi32> to vector<4x64xi32>
      %select_n3A_582 = arith.select %eq3A_578, %broadcast_in_dim3A_581, %select_n3A_566 : vector<4x64xi1>, vector<4x64xi32>
      %eq3A_583 = arith.constant 23 : i32
      %eq3A_584 = vector.broadcast %eq3A_583 : i32 to vector<4x8x1024xi32>
      %eq3A_585 = arith.cmpi eq, %select_n3A_212, %eq3A_584 : vector<4x8x1024xi32>
      %jit3A_586 = arith.constant -1 : i32
      %broadcast_in_dim3A_587 = vector.broadcast %jit3A_586 : i32 to vector<4x8x1024xi32>
      %select_n3A_588 = arith.select %eq3A_585, %add3A_90, %broadcast_in_dim3A_587 : vector<4x8x1024xi1>, vector<4x8x1024xi32>
      %reduce_max3A_589 = arith.constant dense<-2147483648> : vector<4xi32>
      %reduce_max3A_590 = vector.multi_reduction <maxsi>, %select_n3A_588, %reduce_max3A_589 [1, 2] : vector<4x8x1024xi32> to vector<4xi32>
      %broadcast_in_dim3A_591 = vector.shape_cast %reduce_max3A_590 : vector<4xi32> to vector<4x1x1xi32>
      %eq3A_592 = arith.constant 23 : i32
      %eq3A_593 = vector.broadcast %eq3A_592 : i32 to vector<4x64xi32>
      %eq3A_594 = arith.cmpi eq, %iota3A_91, %eq3A_593 : vector<4x64xi32>
      %reshape3A_595 = vector.shape_cast %broadcast_in_dim3A_591 : vector<4x1x1xi32> to vector<4x1xi32>
      %broadcast_in_dim3A_596 = vector.shape_cast %reshape3A_595 : vector<4x1xi32> to vector<4x1xi32>
      %broadcast_in_dim3A_597 = vector.broadcast %broadcast_in_dim3A_596 : vector<4x1xi32> to vector<4x64xi32>
      %select_n3A_598 = arith.select %eq3A_594, %broadcast_in_dim3A_597, %select_n3A_582 : vector<4x64xi1>, vector<4x64xi32>
      %eq3A_599 = arith.constant 24 : i32
      %eq3A_600 = vector.broadcast %eq3A_599 : i32 to vector<4x8x1024xi32>
      %eq3A_601 = arith.cmpi eq, %select_n3A_212, %eq3A_600 : vector<4x8x1024xi32>
      %jit3A_602 = arith.constant -1 : i32
      %broadcast_in_dim3A_603 = vector.broadcast %jit3A_602 : i32 to vector<4x8x1024xi32>
      %select_n3A_604 = arith.select %eq3A_601, %add3A_90, %broadcast_in_dim3A_603 : vector<4x8x1024xi1>, vector<4x8x1024xi32>
      %reduce_max3A_605 = arith.constant dense<-2147483648> : vector<4xi32>
      %reduce_max3A_606 = vector.multi_reduction <maxsi>, %select_n3A_604, %reduce_max3A_605 [1, 2] : vector<4x8x1024xi32> to vector<4xi32>
      %broadcast_in_dim3A_607 = vector.shape_cast %reduce_max3A_606 : vector<4xi32> to vector<4x1x1xi32>
      %eq3A_608 = arith.constant 24 : i32
      %eq3A_609 = vector.broadcast %eq3A_608 : i32 to vector<4x64xi32>
      %eq3A_610 = arith.cmpi eq, %iota3A_91, %eq3A_609 : vector<4x64xi32>
      %reshape3A_611 = vector.shape_cast %broadcast_in_dim3A_607 : vector<4x1x1xi32> to vector<4x1xi32>
      %broadcast_in_dim3A_612 = vector.shape_cast %reshape3A_611 : vector<4x1xi32> to vector<4x1xi32>
      %broadcast_in_dim3A_613 = vector.broadcast %broadcast_in_dim3A_612 : vector<4x1xi32> to vector<4x64xi32>
      %select_n3A_614 = arith.select %eq3A_610, %broadcast_in_dim3A_613, %select_n3A_598 : vector<4x64xi1>, vector<4x64xi32>
      %eq3A_615 = arith.constant 25 : i32
      %eq3A_616 = vector.broadcast %eq3A_615 : i32 to vector<4x8x1024xi32>
      %eq3A_617 = arith.cmpi eq, %select_n3A_212, %eq3A_616 : vector<4x8x1024xi32>
      %jit3A_618 = arith.constant -1 : i32
      %broadcast_in_dim3A_619 = vector.broadcast %jit3A_618 : i32 to vector<4x8x1024xi32>
      %select_n3A_620 = arith.select %eq3A_617, %add3A_90, %broadcast_in_dim3A_619 : vector<4x8x1024xi1>, vector<4x8x1024xi32>
      %reduce_max3A_621 = arith.constant dense<-2147483648> : vector<4xi32>
      %reduce_max3A_622 = vector.multi_reduction <maxsi>, %select_n3A_620, %reduce_max3A_621 [1, 2] : vector<4x8x1024xi32> to vector<4xi32>
      %broadcast_in_dim3A_623 = vector.shape_cast %reduce_max3A_622 : vector<4xi32> to vector<4x1x1xi32>
      %eq3A_624 = arith.constant 25 : i32
      %eq3A_625 = vector.broadcast %eq3A_624 : i32 to vector<4x64xi32>
      %eq3A_626 = arith.cmpi eq, %iota3A_91, %eq3A_625 : vector<4x64xi32>
      %reshape3A_627 = vector.shape_cast %broadcast_in_dim3A_623 : vector<4x1x1xi32> to vector<4x1xi32>
      %broadcast_in_dim3A_628 = vector.shape_cast %reshape3A_627 : vector<4x1xi32> to vector<4x1xi32>
      %broadcast_in_dim3A_629 = vector.broadcast %broadcast_in_dim3A_628 : vector<4x1xi32> to vector<4x64xi32>
      %select_n3A_630 = arith.select %eq3A_626, %broadcast_in_dim3A_629, %select_n3A_614 : vector<4x64xi1>, vector<4x64xi32>
      %eq3A_631 = arith.constant 26 : i32
      %eq3A_632 = vector.broadcast %eq3A_631 : i32 to vector<4x8x1024xi32>
      %eq3A_633 = arith.cmpi eq, %select_n3A_212, %eq3A_632 : vector<4x8x1024xi32>
      %jit3A_634 = arith.constant -1 : i32
      %broadcast_in_dim3A_635 = vector.broadcast %jit3A_634 : i32 to vector<4x8x1024xi32>
      %select_n3A_636 = arith.select %eq3A_633, %add3A_90, %broadcast_in_dim3A_635 : vector<4x8x1024xi1>, vector<4x8x1024xi32>
      %reduce_max3A_637 = arith.constant dense<-2147483648> : vector<4xi32>
      %reduce_max3A_638 = vector.multi_reduction <maxsi>, %select_n3A_636, %reduce_max3A_637 [1, 2] : vector<4x8x1024xi32> to vector<4xi32>
      %broadcast_in_dim3A_639 = vector.shape_cast %reduce_max3A_638 : vector<4xi32> to vector<4x1x1xi32>
      %eq3A_640 = arith.constant 26 : i32
      %eq3A_641 = vector.broadcast %eq3A_640 : i32 to vector<4x64xi32>
      %eq3A_642 = arith.cmpi eq, %iota3A_91, %eq3A_641 : vector<4x64xi32>
      %reshape3A_643 = vector.shape_cast %broadcast_in_dim3A_639 : vector<4x1x1xi32> to vector<4x1xi32>
      %broadcast_in_dim3A_644 = vector.shape_cast %reshape3A_643 : vector<4x1xi32> to vector<4x1xi32>
      %broadcast_in_dim3A_645 = vector.broadcast %broadcast_in_dim3A_644 : vector<4x1xi32> to vector<4x64xi32>
      %select_n3A_646 = arith.select %eq3A_642, %broadcast_in_dim3A_645, %select_n3A_630 : vector<4x64xi1>, vector<4x64xi32>
      %eq3A_647 = arith.constant 27 : i32
      %eq3A_648 = vector.broadcast %eq3A_647 : i32 to vector<4x8x1024xi32>
      %eq3A_649 = arith.cmpi eq, %select_n3A_212, %eq3A_648 : vector<4x8x1024xi32>
      %jit3A_650 = arith.constant -1 : i32
      %broadcast_in_dim3A_651 = vector.broadcast %jit3A_650 : i32 to vector<4x8x1024xi32>
      %select_n3A_652 = arith.select %eq3A_649, %add3A_90, %broadcast_in_dim3A_651 : vector<4x8x1024xi1>, vector<4x8x1024xi32>
      %reduce_max3A_653 = arith.constant dense<-2147483648> : vector<4xi32>
      %reduce_max3A_654 = vector.multi_reduction <maxsi>, %select_n3A_652, %reduce_max3A_653 [1, 2] : vector<4x8x1024xi32> to vector<4xi32>
      %broadcast_in_dim3A_655 = vector.shape_cast %reduce_max3A_654 : vector<4xi32> to vector<4x1x1xi32>
      %eq3A_656 = arith.constant 27 : i32
      %eq3A_657 = vector.broadcast %eq3A_656 : i32 to vector<4x64xi32>
      %eq3A_658 = arith.cmpi eq, %iota3A_91, %eq3A_657 : vector<4x64xi32>
      %reshape3A_659 = vector.shape_cast %broadcast_in_dim3A_655 : vector<4x1x1xi32> to vector<4x1xi32>
      %broadcast_in_dim3A_660 = vector.shape_cast %reshape3A_659 : vector<4x1xi32> to vector<4x1xi32>
      %broadcast_in_dim3A_661 = vector.broadcast %broadcast_in_dim3A_660 : vector<4x1xi32> to vector<4x64xi32>
      %select_n3A_662 = arith.select %eq3A_658, %broadcast_in_dim3A_661, %select_n3A_646 : vector<4x64xi1>, vector<4x64xi32>
      %eq3A_663 = arith.constant 28 : i32
      %eq3A_664 = vector.broadcast %eq3A_663 : i32 to vector<4x8x1024xi32>
      %eq3A_665 = arith.cmpi eq, %select_n3A_212, %eq3A_664 : vector<4x8x1024xi32>
      %jit3A_666 = arith.constant -1 : i32
      %broadcast_in_dim3A_667 = vector.broadcast %jit3A_666 : i32 to vector<4x8x1024xi32>
      %select_n3A_668 = arith.select %eq3A_665, %add3A_90, %broadcast_in_dim3A_667 : vector<4x8x1024xi1>, vector<4x8x1024xi32>
      %reduce_max3A_669 = arith.constant dense<-2147483648> : vector<4xi32>
      %reduce_max3A_670 = vector.multi_reduction <maxsi>, %select_n3A_668, %reduce_max3A_669 [1, 2] : vector<4x8x1024xi32> to vector<4xi32>
      %broadcast_in_dim3A_671 = vector.shape_cast %reduce_max3A_670 : vector<4xi32> to vector<4x1x1xi32>
      %eq3A_672 = arith.constant 28 : i32
      %eq3A_673 = vector.broadcast %eq3A_672 : i32 to vector<4x64xi32>
      %eq3A_674 = arith.cmpi eq, %iota3A_91, %eq3A_673 : vector<4x64xi32>
      %reshape3A_675 = vector.shape_cast %broadcast_in_dim3A_671 : vector<4x1x1xi32> to vector<4x1xi32>
      %broadcast_in_dim3A_676 = vector.shape_cast %reshape3A_675 : vector<4x1xi32> to vector<4x1xi32>
      %broadcast_in_dim3A_677 = vector.broadcast %broadcast_in_dim3A_676 : vector<4x1xi32> to vector<4x64xi32>
      %select_n3A_678 = arith.select %eq3A_674, %broadcast_in_dim3A_677, %select_n3A_662 : vector<4x64xi1>, vector<4x64xi32>
      %eq3A_679 = arith.constant 29 : i32
      %eq3A_680 = vector.broadcast %eq3A_679 : i32 to vector<4x8x1024xi32>
      %eq3A_681 = arith.cmpi eq, %select_n3A_212, %eq3A_680 : vector<4x8x1024xi32>
      %jit3A_682 = arith.constant -1 : i32
      %broadcast_in_dim3A_683 = vector.broadcast %jit3A_682 : i32 to vector<4x8x1024xi32>
      %select_n3A_684 = arith.select %eq3A_681, %add3A_90, %broadcast_in_dim3A_683 : vector<4x8x1024xi1>, vector<4x8x1024xi32>
      %reduce_max3A_685 = arith.constant dense<-2147483648> : vector<4xi32>
      %reduce_max3A_686 = vector.multi_reduction <maxsi>, %select_n3A_684, %reduce_max3A_685 [1, 2] : vector<4x8x1024xi32> to vector<4xi32>
      %broadcast_in_dim3A_687 = vector.shape_cast %reduce_max3A_686 : vector<4xi32> to vector<4x1x1xi32>
      %eq3A_688 = arith.constant 29 : i32
      %eq3A_689 = vector.broadcast %eq3A_688 : i32 to vector<4x64xi32>
      %eq3A_690 = arith.cmpi eq, %iota3A_91, %eq3A_689 : vector<4x64xi32>
      %reshape3A_691 = vector.shape_cast %broadcast_in_dim3A_687 : vector<4x1x1xi32> to vector<4x1xi32>
      %broadcast_in_dim3A_692 = vector.shape_cast %reshape3A_691 : vector<4x1xi32> to vector<4x1xi32>
      %broadcast_in_dim3A_693 = vector.broadcast %broadcast_in_dim3A_692 : vector<4x1xi32> to vector<4x64xi32>
      %select_n3A_694 = arith.select %eq3A_690, %broadcast_in_dim3A_693, %select_n3A_678 : vector<4x64xi1>, vector<4x64xi32>
      %eq3A_695 = arith.constant 30 : i32
      %eq3A_696 = vector.broadcast %eq3A_695 : i32 to vector<4x8x1024xi32>
      %eq3A_697 = arith.cmpi eq, %select_n3A_212, %eq3A_696 : vector<4x8x1024xi32>
      %jit3A_698 = arith.constant -1 : i32
      %broadcast_in_dim3A_699 = vector.broadcast %jit3A_698 : i32 to vector<4x8x1024xi32>
      %select_n3A_700 = arith.select %eq3A_697, %add3A_90, %broadcast_in_dim3A_699 : vector<4x8x1024xi1>, vector<4x8x1024xi32>
      %reduce_max3A_701 = arith.constant dense<-2147483648> : vector<4xi32>
      %reduce_max3A_702 = vector.multi_reduction <maxsi>, %select_n3A_700, %reduce_max3A_701 [1, 2] : vector<4x8x1024xi32> to vector<4xi32>
      %broadcast_in_dim3A_703 = vector.shape_cast %reduce_max3A_702 : vector<4xi32> to vector<4x1x1xi32>
      %eq3A_704 = arith.constant 30 : i32
      %eq3A_705 = vector.broadcast %eq3A_704 : i32 to vector<4x64xi32>
      %eq3A_706 = arith.cmpi eq, %iota3A_91, %eq3A_705 : vector<4x64xi32>
      %reshape3A_707 = vector.shape_cast %broadcast_in_dim3A_703 : vector<4x1x1xi32> to vector<4x1xi32>
      %broadcast_in_dim3A_708 = vector.shape_cast %reshape3A_707 : vector<4x1xi32> to vector<4x1xi32>
      %broadcast_in_dim3A_709 = vector.broadcast %broadcast_in_dim3A_708 : vector<4x1xi32> to vector<4x64xi32>
      %select_n3A_710 = arith.select %eq3A_706, %broadcast_in_dim3A_709, %select_n3A_694 : vector<4x64xi1>, vector<4x64xi32>
      %eq3A_711 = arith.constant 31 : i32
      %eq3A_712 = vector.broadcast %eq3A_711 : i32 to vector<4x8x1024xi32>
      %eq3A_713 = arith.cmpi eq, %select_n3A_212, %eq3A_712 : vector<4x8x1024xi32>
      %jit3A_714 = arith.constant -1 : i32
      %broadcast_in_dim3A_715 = vector.broadcast %jit3A_714 : i32 to vector<4x8x1024xi32>
      %select_n3A_716 = arith.select %eq3A_713, %add3A_90, %broadcast_in_dim3A_715 : vector<4x8x1024xi1>, vector<4x8x1024xi32>
      %reduce_max3A_717 = arith.constant dense<-2147483648> : vector<4xi32>
      %reduce_max3A_718 = vector.multi_reduction <maxsi>, %select_n3A_716, %reduce_max3A_717 [1, 2] : vector<4x8x1024xi32> to vector<4xi32>
      %broadcast_in_dim3A_719 = vector.shape_cast %reduce_max3A_718 : vector<4xi32> to vector<4x1x1xi32>
      %eq3A_720 = arith.constant 31 : i32
      %eq3A_721 = vector.broadcast %eq3A_720 : i32 to vector<4x64xi32>
      %eq3A_722 = arith.cmpi eq, %iota3A_91, %eq3A_721 : vector<4x64xi32>
      %reshape3A_723 = vector.shape_cast %broadcast_in_dim3A_719 : vector<4x1x1xi32> to vector<4x1xi32>
      %broadcast_in_dim3A_724 = vector.shape_cast %reshape3A_723 : vector<4x1xi32> to vector<4x1xi32>
      %broadcast_in_dim3A_725 = vector.broadcast %broadcast_in_dim3A_724 : vector<4x1xi32> to vector<4x64xi32>
      %select_n3A_726 = arith.select %eq3A_722, %broadcast_in_dim3A_725, %select_n3A_710 : vector<4x64xi1>, vector<4x64xi32>
      %eq3A_727 = arith.constant 32 : i32
      %eq3A_728 = vector.broadcast %eq3A_727 : i32 to vector<4x8x1024xi32>
      %eq3A_729 = arith.cmpi eq, %select_n3A_212, %eq3A_728 : vector<4x8x1024xi32>
      %jit3A_730 = arith.constant -1 : i32
      %broadcast_in_dim3A_731 = vector.broadcast %jit3A_730 : i32 to vector<4x8x1024xi32>
      %select_n3A_732 = arith.select %eq3A_729, %add3A_90, %broadcast_in_dim3A_731 : vector<4x8x1024xi1>, vector<4x8x1024xi32>
      %reduce_max3A_733 = arith.constant dense<-2147483648> : vector<4xi32>
      %reduce_max3A_734 = vector.multi_reduction <maxsi>, %select_n3A_732, %reduce_max3A_733 [1, 2] : vector<4x8x1024xi32> to vector<4xi32>
      %broadcast_in_dim3A_735 = vector.shape_cast %reduce_max3A_734 : vector<4xi32> to vector<4x1x1xi32>
      %eq3A_736 = arith.constant 32 : i32
      %eq3A_737 = vector.broadcast %eq3A_736 : i32 to vector<4x64xi32>
      %eq3A_738 = arith.cmpi eq, %iota3A_91, %eq3A_737 : vector<4x64xi32>
      %reshape3A_739 = vector.shape_cast %broadcast_in_dim3A_735 : vector<4x1x1xi32> to vector<4x1xi32>
      %broadcast_in_dim3A_740 = vector.shape_cast %reshape3A_739 : vector<4x1xi32> to vector<4x1xi32>
      %broadcast_in_dim3A_741 = vector.broadcast %broadcast_in_dim3A_740 : vector<4x1xi32> to vector<4x64xi32>
      %select_n3A_742 = arith.select %eq3A_738, %broadcast_in_dim3A_741, %select_n3A_726 : vector<4x64xi1>, vector<4x64xi32>
      %eq3A_743 = arith.constant 33 : i32
      %eq3A_744 = vector.broadcast %eq3A_743 : i32 to vector<4x8x1024xi32>
      %eq3A_745 = arith.cmpi eq, %select_n3A_212, %eq3A_744 : vector<4x8x1024xi32>
      %jit3A_746 = arith.constant -1 : i32
      %broadcast_in_dim3A_747 = vector.broadcast %jit3A_746 : i32 to vector<4x8x1024xi32>
      %select_n3A_748 = arith.select %eq3A_745, %add3A_90, %broadcast_in_dim3A_747 : vector<4x8x1024xi1>, vector<4x8x1024xi32>
      %reduce_max3A_749 = arith.constant dense<-2147483648> : vector<4xi32>
      %reduce_max3A_750 = vector.multi_reduction <maxsi>, %select_n3A_748, %reduce_max3A_749 [1, 2] : vector<4x8x1024xi32> to vector<4xi32>
      %broadcast_in_dim3A_751 = vector.shape_cast %reduce_max3A_750 : vector<4xi32> to vector<4x1x1xi32>
      %eq3A_752 = arith.constant 33 : i32
      %eq3A_753 = vector.broadcast %eq3A_752 : i32 to vector<4x64xi32>
      %eq3A_754 = arith.cmpi eq, %iota3A_91, %eq3A_753 : vector<4x64xi32>
      %reshape3A_755 = vector.shape_cast %broadcast_in_dim3A_751 : vector<4x1x1xi32> to vector<4x1xi32>
      %broadcast_in_dim3A_756 = vector.shape_cast %reshape3A_755 : vector<4x1xi32> to vector<4x1xi32>
      %broadcast_in_dim3A_757 = vector.broadcast %broadcast_in_dim3A_756 : vector<4x1xi32> to vector<4x64xi32>
      %select_n3A_758 = arith.select %eq3A_754, %broadcast_in_dim3A_757, %select_n3A_742 : vector<4x64xi1>, vector<4x64xi32>
      %eq3A_759 = arith.constant 34 : i32
      %eq3A_760 = vector.broadcast %eq3A_759 : i32 to vector<4x8x1024xi32>
      %eq3A_761 = arith.cmpi eq, %select_n3A_212, %eq3A_760 : vector<4x8x1024xi32>
      %jit3A_762 = arith.constant -1 : i32
      %broadcast_in_dim3A_763 = vector.broadcast %jit3A_762 : i32 to vector<4x8x1024xi32>
      %select_n3A_764 = arith.select %eq3A_761, %add3A_90, %broadcast_in_dim3A_763 : vector<4x8x1024xi1>, vector<4x8x1024xi32>
      %reduce_max3A_765 = arith.constant dense<-2147483648> : vector<4xi32>
      %reduce_max3A_766 = vector.multi_reduction <maxsi>, %select_n3A_764, %reduce_max3A_765 [1, 2] : vector<4x8x1024xi32> to vector<4xi32>
      %broadcast_in_dim3A_767 = vector.shape_cast %reduce_max3A_766 : vector<4xi32> to vector<4x1x1xi32>
      %eq3A_768 = arith.constant 34 : i32
      %eq3A_769 = vector.broadcast %eq3A_768 : i32 to vector<4x64xi32>
      %eq3A_770 = arith.cmpi eq, %iota3A_91, %eq3A_769 : vector<4x64xi32>
      %reshape3A_771 = vector.shape_cast %broadcast_in_dim3A_767 : vector<4x1x1xi32> to vector<4x1xi32>
      %broadcast_in_dim3A_772 = vector.shape_cast %reshape3A_771 : vector<4x1xi32> to vector<4x1xi32>
      %broadcast_in_dim3A_773 = vector.broadcast %broadcast_in_dim3A_772 : vector<4x1xi32> to vector<4x64xi32>
      %select_n3A_774 = arith.select %eq3A_770, %broadcast_in_dim3A_773, %select_n3A_758 : vector<4x64xi1>, vector<4x64xi32>
      %eq3A_775 = arith.constant 35 : i32
      %eq3A_776 = vector.broadcast %eq3A_775 : i32 to vector<4x8x1024xi32>
      %eq3A_777 = arith.cmpi eq, %select_n3A_212, %eq3A_776 : vector<4x8x1024xi32>
      %jit3A_778 = arith.constant -1 : i32
      %broadcast_in_dim3A_779 = vector.broadcast %jit3A_778 : i32 to vector<4x8x1024xi32>
      %select_n3A_780 = arith.select %eq3A_777, %add3A_90, %broadcast_in_dim3A_779 : vector<4x8x1024xi1>, vector<4x8x1024xi32>
      %reduce_max3A_781 = arith.constant dense<-2147483648> : vector<4xi32>
      %reduce_max3A_782 = vector.multi_reduction <maxsi>, %select_n3A_780, %reduce_max3A_781 [1, 2] : vector<4x8x1024xi32> to vector<4xi32>
      %broadcast_in_dim3A_783 = vector.shape_cast %reduce_max3A_782 : vector<4xi32> to vector<4x1x1xi32>
      %eq3A_784 = arith.constant 35 : i32
      %eq3A_785 = vector.broadcast %eq3A_784 : i32 to vector<4x64xi32>
      %eq3A_786 = arith.cmpi eq, %iota3A_91, %eq3A_785 : vector<4x64xi32>
      %reshape3A_787 = vector.shape_cast %broadcast_in_dim3A_783 : vector<4x1x1xi32> to vector<4x1xi32>
      %broadcast_in_dim3A_788 = vector.shape_cast %reshape3A_787 : vector<4x1xi32> to vector<4x1xi32>
      %broadcast_in_dim3A_789 = vector.broadcast %broadcast_in_dim3A_788 : vector<4x1xi32> to vector<4x64xi32>
      %select_n3A_790 = arith.select %eq3A_786, %broadcast_in_dim3A_789, %select_n3A_774 : vector<4x64xi1>, vector<4x64xi32>
      %eq3A_791 = arith.constant 36 : i32
      %eq3A_792 = vector.broadcast %eq3A_791 : i32 to vector<4x8x1024xi32>
      %eq3A_793 = arith.cmpi eq, %select_n3A_212, %eq3A_792 : vector<4x8x1024xi32>
      %jit3A_794 = arith.constant -1 : i32
      %broadcast_in_dim3A_795 = vector.broadcast %jit3A_794 : i32 to vector<4x8x1024xi32>
      %select_n3A_796 = arith.select %eq3A_793, %add3A_90, %broadcast_in_dim3A_795 : vector<4x8x1024xi1>, vector<4x8x1024xi32>
      %reduce_max3A_797 = arith.constant dense<-2147483648> : vector<4xi32>
      %reduce_max3A_798 = vector.multi_reduction <maxsi>, %select_n3A_796, %reduce_max3A_797 [1, 2] : vector<4x8x1024xi32> to vector<4xi32>
      %broadcast_in_dim3A_799 = vector.shape_cast %reduce_max3A_798 : vector<4xi32> to vector<4x1x1xi32>
      %eq3A_800 = arith.constant 36 : i32
      %eq3A_801 = vector.broadcast %eq3A_800 : i32 to vector<4x64xi32>
      %eq3A_802 = arith.cmpi eq, %iota3A_91, %eq3A_801 : vector<4x64xi32>
      %reshape3A_803 = vector.shape_cast %broadcast_in_dim3A_799 : vector<4x1x1xi32> to vector<4x1xi32>
      %broadcast_in_dim3A_804 = vector.shape_cast %reshape3A_803 : vector<4x1xi32> to vector<4x1xi32>
      %broadcast_in_dim3A_805 = vector.broadcast %broadcast_in_dim3A_804 : vector<4x1xi32> to vector<4x64xi32>
      %select_n3A_806 = arith.select %eq3A_802, %broadcast_in_dim3A_805, %select_n3A_790 : vector<4x64xi1>, vector<4x64xi32>
      %eq3A_807 = arith.constant 37 : i32
      %eq3A_808 = vector.broadcast %eq3A_807 : i32 to vector<4x8x1024xi32>
      %eq3A_809 = arith.cmpi eq, %select_n3A_212, %eq3A_808 : vector<4x8x1024xi32>
      %jit3A_810 = arith.constant -1 : i32
      %broadcast_in_dim3A_811 = vector.broadcast %jit3A_810 : i32 to vector<4x8x1024xi32>
      %select_n3A_812 = arith.select %eq3A_809, %add3A_90, %broadcast_in_dim3A_811 : vector<4x8x1024xi1>, vector<4x8x1024xi32>
      %reduce_max3A_813 = arith.constant dense<-2147483648> : vector<4xi32>
      %reduce_max3A_814 = vector.multi_reduction <maxsi>, %select_n3A_812, %reduce_max3A_813 [1, 2] : vector<4x8x1024xi32> to vector<4xi32>
      %broadcast_in_dim3A_815 = vector.shape_cast %reduce_max3A_814 : vector<4xi32> to vector<4x1x1xi32>
      %eq3A_816 = arith.constant 37 : i32
      %eq3A_817 = vector.broadcast %eq3A_816 : i32 to vector<4x64xi32>
      %eq3A_818 = arith.cmpi eq, %iota3A_91, %eq3A_817 : vector<4x64xi32>
      %reshape3A_819 = vector.shape_cast %broadcast_in_dim3A_815 : vector<4x1x1xi32> to vector<4x1xi32>
      %broadcast_in_dim3A_820 = vector.shape_cast %reshape3A_819 : vector<4x1xi32> to vector<4x1xi32>
      %broadcast_in_dim3A_821 = vector.broadcast %broadcast_in_dim3A_820 : vector<4x1xi32> to vector<4x64xi32>
      %select_n3A_822 = arith.select %eq3A_818, %broadcast_in_dim3A_821, %select_n3A_806 : vector<4x64xi1>, vector<4x64xi32>
      %eq3A_823 = arith.constant 38 : i32
      %eq3A_824 = vector.broadcast %eq3A_823 : i32 to vector<4x8x1024xi32>
      %eq3A_825 = arith.cmpi eq, %select_n3A_212, %eq3A_824 : vector<4x8x1024xi32>
      %jit3A_826 = arith.constant -1 : i32
      %broadcast_in_dim3A_827 = vector.broadcast %jit3A_826 : i32 to vector<4x8x1024xi32>
      %select_n3A_828 = arith.select %eq3A_825, %add3A_90, %broadcast_in_dim3A_827 : vector<4x8x1024xi1>, vector<4x8x1024xi32>
      %reduce_max3A_829 = arith.constant dense<-2147483648> : vector<4xi32>
      %reduce_max3A_830 = vector.multi_reduction <maxsi>, %select_n3A_828, %reduce_max3A_829 [1, 2] : vector<4x8x1024xi32> to vector<4xi32>
      %broadcast_in_dim3A_831 = vector.shape_cast %reduce_max3A_830 : vector<4xi32> to vector<4x1x1xi32>
      %eq3A_832 = arith.constant 38 : i32
      %eq3A_833 = vector.broadcast %eq3A_832 : i32 to vector<4x64xi32>
      %eq3A_834 = arith.cmpi eq, %iota3A_91, %eq3A_833 : vector<4x64xi32>
      %reshape3A_835 = vector.shape_cast %broadcast_in_dim3A_831 : vector<4x1x1xi32> to vector<4x1xi32>
      %broadcast_in_dim3A_836 = vector.shape_cast %reshape3A_835 : vector<4x1xi32> to vector<4x1xi32>
      %broadcast_in_dim3A_837 = vector.broadcast %broadcast_in_dim3A_836 : vector<4x1xi32> to vector<4x64xi32>
      %select_n3A_838 = arith.select %eq3A_834, %broadcast_in_dim3A_837, %select_n3A_822 : vector<4x64xi1>, vector<4x64xi32>
      %eq3A_839 = arith.constant 39 : i32
      %eq3A_840 = vector.broadcast %eq3A_839 : i32 to vector<4x8x1024xi32>
      %eq3A_841 = arith.cmpi eq, %select_n3A_212, %eq3A_840 : vector<4x8x1024xi32>
      %jit3A_842 = arith.constant -1 : i32
      %broadcast_in_dim3A_843 = vector.broadcast %jit3A_842 : i32 to vector<4x8x1024xi32>
      %select_n3A_844 = arith.select %eq3A_841, %add3A_90, %broadcast_in_dim3A_843 : vector<4x8x1024xi1>, vector<4x8x1024xi32>
      %reduce_max3A_845 = arith.constant dense<-2147483648> : vector<4xi32>
      %reduce_max3A_846 = vector.multi_reduction <maxsi>, %select_n3A_844, %reduce_max3A_845 [1, 2] : vector<4x8x1024xi32> to vector<4xi32>
      %broadcast_in_dim3A_847 = vector.shape_cast %reduce_max3A_846 : vector<4xi32> to vector<4x1x1xi32>
      %eq3A_848 = arith.constant 39 : i32
      %eq3A_849 = vector.broadcast %eq3A_848 : i32 to vector<4x64xi32>
      %eq3A_850 = arith.cmpi eq, %iota3A_91, %eq3A_849 : vector<4x64xi32>
      %reshape3A_851 = vector.shape_cast %broadcast_in_dim3A_847 : vector<4x1x1xi32> to vector<4x1xi32>
      %broadcast_in_dim3A_852 = vector.shape_cast %reshape3A_851 : vector<4x1xi32> to vector<4x1xi32>
      %broadcast_in_dim3A_853 = vector.broadcast %broadcast_in_dim3A_852 : vector<4x1xi32> to vector<4x64xi32>
      %select_n3A_854 = arith.select %eq3A_850, %broadcast_in_dim3A_853, %select_n3A_838 : vector<4x64xi1>, vector<4x64xi32>
      %eq3A_855 = arith.constant 40 : i32
      %eq3A_856 = vector.broadcast %eq3A_855 : i32 to vector<4x8x1024xi32>
      %eq3A_857 = arith.cmpi eq, %select_n3A_212, %eq3A_856 : vector<4x8x1024xi32>
      %jit3A_858 = arith.constant -1 : i32
      %broadcast_in_dim3A_859 = vector.broadcast %jit3A_858 : i32 to vector<4x8x1024xi32>
      %select_n3A_860 = arith.select %eq3A_857, %add3A_90, %broadcast_in_dim3A_859 : vector<4x8x1024xi1>, vector<4x8x1024xi32>
      %reduce_max3A_861 = arith.constant dense<-2147483648> : vector<4xi32>
      %reduce_max3A_862 = vector.multi_reduction <maxsi>, %select_n3A_860, %reduce_max3A_861 [1, 2] : vector<4x8x1024xi32> to vector<4xi32>
      %broadcast_in_dim3A_863 = vector.shape_cast %reduce_max3A_862 : vector<4xi32> to vector<4x1x1xi32>
      %eq3A_864 = arith.constant 40 : i32
      %eq3A_865 = vector.broadcast %eq3A_864 : i32 to vector<4x64xi32>
      %eq3A_866 = arith.cmpi eq, %iota3A_91, %eq3A_865 : vector<4x64xi32>
      %reshape3A_867 = vector.shape_cast %broadcast_in_dim3A_863 : vector<4x1x1xi32> to vector<4x1xi32>
      %broadcast_in_dim3A_868 = vector.shape_cast %reshape3A_867 : vector<4x1xi32> to vector<4x1xi32>
      %broadcast_in_dim3A_869 = vector.broadcast %broadcast_in_dim3A_868 : vector<4x1xi32> to vector<4x64xi32>
      %select_n3A_870 = arith.select %eq3A_866, %broadcast_in_dim3A_869, %select_n3A_854 : vector<4x64xi1>, vector<4x64xi32>
      %eq3A_871 = arith.constant 41 : i32
      %eq3A_872 = vector.broadcast %eq3A_871 : i32 to vector<4x8x1024xi32>
      %eq3A_873 = arith.cmpi eq, %select_n3A_212, %eq3A_872 : vector<4x8x1024xi32>
      %jit3A_874 = arith.constant -1 : i32
      %broadcast_in_dim3A_875 = vector.broadcast %jit3A_874 : i32 to vector<4x8x1024xi32>
      %select_n3A_876 = arith.select %eq3A_873, %add3A_90, %broadcast_in_dim3A_875 : vector<4x8x1024xi1>, vector<4x8x1024xi32>
      %reduce_max3A_877 = arith.constant dense<-2147483648> : vector<4xi32>
      %reduce_max3A_878 = vector.multi_reduction <maxsi>, %select_n3A_876, %reduce_max3A_877 [1, 2] : vector<4x8x1024xi32> to vector<4xi32>
      %broadcast_in_dim3A_879 = vector.shape_cast %reduce_max3A_878 : vector<4xi32> to vector<4x1x1xi32>
      %eq3A_880 = arith.constant 41 : i32
      %eq3A_881 = vector.broadcast %eq3A_880 : i32 to vector<4x64xi32>
      %eq3A_882 = arith.cmpi eq, %iota3A_91, %eq3A_881 : vector<4x64xi32>
      %reshape3A_883 = vector.shape_cast %broadcast_in_dim3A_879 : vector<4x1x1xi32> to vector<4x1xi32>
      %broadcast_in_dim3A_884 = vector.shape_cast %reshape3A_883 : vector<4x1xi32> to vector<4x1xi32>
      %broadcast_in_dim3A_885 = vector.broadcast %broadcast_in_dim3A_884 : vector<4x1xi32> to vector<4x64xi32>
      %select_n3A_886 = arith.select %eq3A_882, %broadcast_in_dim3A_885, %select_n3A_870 : vector<4x64xi1>, vector<4x64xi32>
      %eq3A_887 = arith.constant 42 : i32
      %eq3A_888 = vector.broadcast %eq3A_887 : i32 to vector<4x8x1024xi32>
      %eq3A_889 = arith.cmpi eq, %select_n3A_212, %eq3A_888 : vector<4x8x1024xi32>
      %jit3A_890 = arith.constant -1 : i32
      %broadcast_in_dim3A_891 = vector.broadcast %jit3A_890 : i32 to vector<4x8x1024xi32>
      %select_n3A_892 = arith.select %eq3A_889, %add3A_90, %broadcast_in_dim3A_891 : vector<4x8x1024xi1>, vector<4x8x1024xi32>
      %reduce_max3A_893 = arith.constant dense<-2147483648> : vector<4xi32>
      %reduce_max3A_894 = vector.multi_reduction <maxsi>, %select_n3A_892, %reduce_max3A_893 [1, 2] : vector<4x8x1024xi32> to vector<4xi32>
      %broadcast_in_dim3A_895 = vector.shape_cast %reduce_max3A_894 : vector<4xi32> to vector<4x1x1xi32>
      %eq3A_896 = arith.constant 42 : i32
      %eq3A_897 = vector.broadcast %eq3A_896 : i32 to vector<4x64xi32>
      %eq3A_898 = arith.cmpi eq, %iota3A_91, %eq3A_897 : vector<4x64xi32>
      %reshape3A_899 = vector.shape_cast %broadcast_in_dim3A_895 : vector<4x1x1xi32> to vector<4x1xi32>
      %broadcast_in_dim3A_900 = vector.shape_cast %reshape3A_899 : vector<4x1xi32> to vector<4x1xi32>
      %broadcast_in_dim3A_901 = vector.broadcast %broadcast_in_dim3A_900 : vector<4x1xi32> to vector<4x64xi32>
      %select_n3A_902 = arith.select %eq3A_898, %broadcast_in_dim3A_901, %select_n3A_886 : vector<4x64xi1>, vector<4x64xi32>
      %eq3A_903 = arith.constant 43 : i32
      %eq3A_904 = vector.broadcast %eq3A_903 : i32 to vector<4x8x1024xi32>
      %eq3A_905 = arith.cmpi eq, %select_n3A_212, %eq3A_904 : vector<4x8x1024xi32>
      %jit3A_906 = arith.constant -1 : i32
      %broadcast_in_dim3A_907 = vector.broadcast %jit3A_906 : i32 to vector<4x8x1024xi32>
      %select_n3A_908 = arith.select %eq3A_905, %add3A_90, %broadcast_in_dim3A_907 : vector<4x8x1024xi1>, vector<4x8x1024xi32>
      %reduce_max3A_909 = arith.constant dense<-2147483648> : vector<4xi32>
      %reduce_max3A_910 = vector.multi_reduction <maxsi>, %select_n3A_908, %reduce_max3A_909 [1, 2] : vector<4x8x1024xi32> to vector<4xi32>
      %broadcast_in_dim3A_911 = vector.shape_cast %reduce_max3A_910 : vector<4xi32> to vector<4x1x1xi32>
      %eq3A_912 = arith.constant 43 : i32
      %eq3A_913 = vector.broadcast %eq3A_912 : i32 to vector<4x64xi32>
      %eq3A_914 = arith.cmpi eq, %iota3A_91, %eq3A_913 : vector<4x64xi32>
      %reshape3A_915 = vector.shape_cast %broadcast_in_dim3A_911 : vector<4x1x1xi32> to vector<4x1xi32>
      %broadcast_in_dim3A_916 = vector.shape_cast %reshape3A_915 : vector<4x1xi32> to vector<4x1xi32>
      %broadcast_in_dim3A_917 = vector.broadcast %broadcast_in_dim3A_916 : vector<4x1xi32> to vector<4x64xi32>
      %select_n3A_918 = arith.select %eq3A_914, %broadcast_in_dim3A_917, %select_n3A_902 : vector<4x64xi1>, vector<4x64xi32>
      %eq3A_919 = arith.constant 44 : i32
      %eq3A_920 = vector.broadcast %eq3A_919 : i32 to vector<4x8x1024xi32>
      %eq3A_921 = arith.cmpi eq, %select_n3A_212, %eq3A_920 : vector<4x8x1024xi32>
      %jit3A_922 = arith.constant -1 : i32
      %broadcast_in_dim3A_923 = vector.broadcast %jit3A_922 : i32 to vector<4x8x1024xi32>
      %select_n3A_924 = arith.select %eq3A_921, %add3A_90, %broadcast_in_dim3A_923 : vector<4x8x1024xi1>, vector<4x8x1024xi32>
      %reduce_max3A_925 = arith.constant dense<-2147483648> : vector<4xi32>
      %reduce_max3A_926 = vector.multi_reduction <maxsi>, %select_n3A_924, %reduce_max3A_925 [1, 2] : vector<4x8x1024xi32> to vector<4xi32>
      %broadcast_in_dim3A_927 = vector.shape_cast %reduce_max3A_926 : vector<4xi32> to vector<4x1x1xi32>
      %eq3A_928 = arith.constant 44 : i32
      %eq3A_929 = vector.broadcast %eq3A_928 : i32 to vector<4x64xi32>
      %eq3A_930 = arith.cmpi eq, %iota3A_91, %eq3A_929 : vector<4x64xi32>
      %reshape3A_931 = vector.shape_cast %broadcast_in_dim3A_927 : vector<4x1x1xi32> to vector<4x1xi32>
      %broadcast_in_dim3A_932 = vector.shape_cast %reshape3A_931 : vector<4x1xi32> to vector<4x1xi32>
      %broadcast_in_dim3A_933 = vector.broadcast %broadcast_in_dim3A_932 : vector<4x1xi32> to vector<4x64xi32>
      %select_n3A_934 = arith.select %eq3A_930, %broadcast_in_dim3A_933, %select_n3A_918 : vector<4x64xi1>, vector<4x64xi32>
      %eq3A_935 = arith.constant 45 : i32
      %eq3A_936 = vector.broadcast %eq3A_935 : i32 to vector<4x8x1024xi32>
      %eq3A_937 = arith.cmpi eq, %select_n3A_212, %eq3A_936 : vector<4x8x1024xi32>
      %jit3A_938 = arith.constant -1 : i32
      %broadcast_in_dim3A_939 = vector.broadcast %jit3A_938 : i32 to vector<4x8x1024xi32>
      %select_n3A_940 = arith.select %eq3A_937, %add3A_90, %broadcast_in_dim3A_939 : vector<4x8x1024xi1>, vector<4x8x1024xi32>
      %reduce_max3A_941 = arith.constant dense<-2147483648> : vector<4xi32>
      %reduce_max3A_942 = vector.multi_reduction <maxsi>, %select_n3A_940, %reduce_max3A_941 [1, 2] : vector<4x8x1024xi32> to vector<4xi32>
      %broadcast_in_dim3A_943 = vector.shape_cast %reduce_max3A_942 : vector<4xi32> to vector<4x1x1xi32>
      %eq3A_944 = arith.constant 45 : i32
      %eq3A_945 = vector.broadcast %eq3A_944 : i32 to vector<4x64xi32>
      %eq3A_946 = arith.cmpi eq, %iota3A_91, %eq3A_945 : vector<4x64xi32>
      %reshape3A_947 = vector.shape_cast %broadcast_in_dim3A_943 : vector<4x1x1xi32> to vector<4x1xi32>
      %broadcast_in_dim3A_948 = vector.shape_cast %reshape3A_947 : vector<4x1xi32> to vector<4x1xi32>
      %broadcast_in_dim3A_949 = vector.broadcast %broadcast_in_dim3A_948 : vector<4x1xi32> to vector<4x64xi32>
      %select_n3A_950 = arith.select %eq3A_946, %broadcast_in_dim3A_949, %select_n3A_934 : vector<4x64xi1>, vector<4x64xi32>
      %eq3A_951 = arith.constant 46 : i32
      %eq3A_952 = vector.broadcast %eq3A_951 : i32 to vector<4x8x1024xi32>
      %eq3A_953 = arith.cmpi eq, %select_n3A_212, %eq3A_952 : vector<4x8x1024xi32>
      %jit3A_954 = arith.constant -1 : i32
      %broadcast_in_dim3A_955 = vector.broadcast %jit3A_954 : i32 to vector<4x8x1024xi32>
      %select_n3A_956 = arith.select %eq3A_953, %add3A_90, %broadcast_in_dim3A_955 : vector<4x8x1024xi1>, vector<4x8x1024xi32>
      %reduce_max3A_957 = arith.constant dense<-2147483648> : vector<4xi32>
      %reduce_max3A_958 = vector.multi_reduction <maxsi>, %select_n3A_956, %reduce_max3A_957 [1, 2] : vector<4x8x1024xi32> to vector<4xi32>
      %broadcast_in_dim3A_959 = vector.shape_cast %reduce_max3A_958 : vector<4xi32> to vector<4x1x1xi32>
      %eq3A_960 = arith.constant 46 : i32
      %eq3A_961 = vector.broadcast %eq3A_960 : i32 to vector<4x64xi32>
      %eq3A_962 = arith.cmpi eq, %iota3A_91, %eq3A_961 : vector<4x64xi32>
      %reshape3A_963 = vector.shape_cast %broadcast_in_dim3A_959 : vector<4x1x1xi32> to vector<4x1xi32>
      %broadcast_in_dim3A_964 = vector.shape_cast %reshape3A_963 : vector<4x1xi32> to vector<4x1xi32>
      %broadcast_in_dim3A_965 = vector.broadcast %broadcast_in_dim3A_964 : vector<4x1xi32> to vector<4x64xi32>
      %select_n3A_966 = arith.select %eq3A_962, %broadcast_in_dim3A_965, %select_n3A_950 : vector<4x64xi1>, vector<4x64xi32>
      %eq3A_967 = arith.constant 47 : i32
      %eq3A_968 = vector.broadcast %eq3A_967 : i32 to vector<4x8x1024xi32>
      %eq3A_969 = arith.cmpi eq, %select_n3A_212, %eq3A_968 : vector<4x8x1024xi32>
      %jit3A_970 = arith.constant -1 : i32
      %broadcast_in_dim3A_971 = vector.broadcast %jit3A_970 : i32 to vector<4x8x1024xi32>
      %select_n3A_972 = arith.select %eq3A_969, %add3A_90, %broadcast_in_dim3A_971 : vector<4x8x1024xi1>, vector<4x8x1024xi32>
      %reduce_max3A_973 = arith.constant dense<-2147483648> : vector<4xi32>
      %reduce_max3A_974 = vector.multi_reduction <maxsi>, %select_n3A_972, %reduce_max3A_973 [1, 2] : vector<4x8x1024xi32> to vector<4xi32>
      %broadcast_in_dim3A_975 = vector.shape_cast %reduce_max3A_974 : vector<4xi32> to vector<4x1x1xi32>
      %eq3A_976 = arith.constant 47 : i32
      %eq3A_977 = vector.broadcast %eq3A_976 : i32 to vector<4x64xi32>
      %eq3A_978 = arith.cmpi eq, %iota3A_91, %eq3A_977 : vector<4x64xi32>
      %reshape3A_979 = vector.shape_cast %broadcast_in_dim3A_975 : vector<4x1x1xi32> to vector<4x1xi32>
      %broadcast_in_dim3A_980 = vector.shape_cast %reshape3A_979 : vector<4x1xi32> to vector<4x1xi32>
      %broadcast_in_dim3A_981 = vector.broadcast %broadcast_in_dim3A_980 : vector<4x1xi32> to vector<4x64xi32>
      %select_n3A_982 = arith.select %eq3A_978, %broadcast_in_dim3A_981, %select_n3A_966 : vector<4x64xi1>, vector<4x64xi32>
      %eq3A_983 = arith.constant 48 : i32
      %eq3A_984 = vector.broadcast %eq3A_983 : i32 to vector<4x8x1024xi32>
      %eq3A_985 = arith.cmpi eq, %select_n3A_212, %eq3A_984 : vector<4x8x1024xi32>
      %jit3A_986 = arith.constant -1 : i32
      %broadcast_in_dim3A_987 = vector.broadcast %jit3A_986 : i32 to vector<4x8x1024xi32>
      %select_n3A_988 = arith.select %eq3A_985, %add3A_90, %broadcast_in_dim3A_987 : vector<4x8x1024xi1>, vector<4x8x1024xi32>
      %reduce_max3A_989 = arith.constant dense<-2147483648> : vector<4xi32>
      %reduce_max3A_990 = vector.multi_reduction <maxsi>, %select_n3A_988, %reduce_max3A_989 [1, 2] : vector<4x8x1024xi32> to vector<4xi32>
      %broadcast_in_dim3A_991 = vector.shape_cast %reduce_max3A_990 : vector<4xi32> to vector<4x1x1xi32>
      %eq3A_992 = arith.constant 48 : i32
      %eq3A_993 = vector.broadcast %eq3A_992 : i32 to vector<4x64xi32>
      %eq3A_994 = arith.cmpi eq, %iota3A_91, %eq3A_993 : vector<4x64xi32>
      %reshape3A_995 = vector.shape_cast %broadcast_in_dim3A_991 : vector<4x1x1xi32> to vector<4x1xi32>
      %broadcast_in_dim3A_996 = vector.shape_cast %reshape3A_995 : vector<4x1xi32> to vector<4x1xi32>
      %broadcast_in_dim3A_997 = vector.broadcast %broadcast_in_dim3A_996 : vector<4x1xi32> to vector<4x64xi32>
      %select_n3A_998 = arith.select %eq3A_994, %broadcast_in_dim3A_997, %select_n3A_982 : vector<4x64xi1>, vector<4x64xi32>
      %eq3A_999 = arith.constant 49 : i32
      %eq3A_1000 = vector.broadcast %eq3A_999 : i32 to vector<4x8x1024xi32>
      %eq3A_1001 = arith.cmpi eq, %select_n3A_212, %eq3A_1000 : vector<4x8x1024xi32>
      %jit3A_1002 = arith.constant -1 : i32
      %broadcast_in_dim3A_1003 = vector.broadcast %jit3A_1002 : i32 to vector<4x8x1024xi32>
      %select_n3A_1004 = arith.select %eq3A_1001, %add3A_90, %broadcast_in_dim3A_1003 : vector<4x8x1024xi1>, vector<4x8x1024xi32>
      %reduce_max3A_1005 = arith.constant dense<-2147483648> : vector<4xi32>
      %reduce_max3A_1006 = vector.multi_reduction <maxsi>, %select_n3A_1004, %reduce_max3A_1005 [1, 2] : vector<4x8x1024xi32> to vector<4xi32>
      %broadcast_in_dim3A_1007 = vector.shape_cast %reduce_max3A_1006 : vector<4xi32> to vector<4x1x1xi32>
      %eq3A_1008 = arith.constant 49 : i32
      %eq3A_1009 = vector.broadcast %eq3A_1008 : i32 to vector<4x64xi32>
      %eq3A_1010 = arith.cmpi eq, %iota3A_91, %eq3A_1009 : vector<4x64xi32>
      %reshape3A_1011 = vector.shape_cast %broadcast_in_dim3A_1007 : vector<4x1x1xi32> to vector<4x1xi32>
      %broadcast_in_dim3A_1012 = vector.shape_cast %reshape3A_1011 : vector<4x1xi32> to vector<4x1xi32>
      %broadcast_in_dim3A_1013 = vector.broadcast %broadcast_in_dim3A_1012 : vector<4x1xi32> to vector<4x64xi32>
      %select_n3A_1014 = arith.select %eq3A_1010, %broadcast_in_dim3A_1013, %select_n3A_998 : vector<4x64xi1>, vector<4x64xi32>
      %eq3A_1015 = arith.constant 50 : i32
      %eq3A_1016 = vector.broadcast %eq3A_1015 : i32 to vector<4x8x1024xi32>
      %eq3A_1017 = arith.cmpi eq, %select_n3A_212, %eq3A_1016 : vector<4x8x1024xi32>
      %jit3A_1018 = arith.constant -1 : i32
      %broadcast_in_dim3A_1019 = vector.broadcast %jit3A_1018 : i32 to vector<4x8x1024xi32>
      %select_n3A_1020 = arith.select %eq3A_1017, %add3A_90, %broadcast_in_dim3A_1019 : vector<4x8x1024xi1>, vector<4x8x1024xi32>
      %reduce_max3A_1021 = arith.constant dense<-2147483648> : vector<4xi32>
      %reduce_max3A_1022 = vector.multi_reduction <maxsi>, %select_n3A_1020, %reduce_max3A_1021 [1, 2] : vector<4x8x1024xi32> to vector<4xi32>
      %broadcast_in_dim3A_1023 = vector.shape_cast %reduce_max3A_1022 : vector<4xi32> to vector<4x1x1xi32>
      %eq3A_1024 = arith.constant 50 : i32
      %eq3A_1025 = vector.broadcast %eq3A_1024 : i32 to vector<4x64xi32>
      %eq3A_1026 = arith.cmpi eq, %iota3A_91, %eq3A_1025 : vector<4x64xi32>
      %reshape3A_1027 = vector.shape_cast %broadcast_in_dim3A_1023 : vector<4x1x1xi32> to vector<4x1xi32>
      %broadcast_in_dim3A_1028 = vector.shape_cast %reshape3A_1027 : vector<4x1xi32> to vector<4x1xi32>
      %broadcast_in_dim3A_1029 = vector.broadcast %broadcast_in_dim3A_1028 : vector<4x1xi32> to vector<4x64xi32>
      %select_n3A_1030 = arith.select %eq3A_1026, %broadcast_in_dim3A_1029, %select_n3A_1014 : vector<4x64xi1>, vector<4x64xi32>
      %eq3A_1031 = arith.constant 51 : i32
      %eq3A_1032 = vector.broadcast %eq3A_1031 : i32 to vector<4x8x1024xi32>
      %eq3A_1033 = arith.cmpi eq, %select_n3A_212, %eq3A_1032 : vector<4x8x1024xi32>
      %jit3A_1034 = arith.constant -1 : i32
      %broadcast_in_dim3A_1035 = vector.broadcast %jit3A_1034 : i32 to vector<4x8x1024xi32>
      %select_n3A_1036 = arith.select %eq3A_1033, %add3A_90, %broadcast_in_dim3A_1035 : vector<4x8x1024xi1>, vector<4x8x1024xi32>
      %reduce_max3A_1037 = arith.constant dense<-2147483648> : vector<4xi32>
      %reduce_max3A_1038 = vector.multi_reduction <maxsi>, %select_n3A_1036, %reduce_max3A_1037 [1, 2] : vector<4x8x1024xi32> to vector<4xi32>
      %broadcast_in_dim3A_1039 = vector.shape_cast %reduce_max3A_1038 : vector<4xi32> to vector<4x1x1xi32>
      %eq3A_1040 = arith.constant 51 : i32
      %eq3A_1041 = vector.broadcast %eq3A_1040 : i32 to vector<4x64xi32>
      %eq3A_1042 = arith.cmpi eq, %iota3A_91, %eq3A_1041 : vector<4x64xi32>
      %reshape3A_1043 = vector.shape_cast %broadcast_in_dim3A_1039 : vector<4x1x1xi32> to vector<4x1xi32>
      %broadcast_in_dim3A_1044 = vector.shape_cast %reshape3A_1043 : vector<4x1xi32> to vector<4x1xi32>
      %broadcast_in_dim3A_1045 = vector.broadcast %broadcast_in_dim3A_1044 : vector<4x1xi32> to vector<4x64xi32>
      %select_n3A_1046 = arith.select %eq3A_1042, %broadcast_in_dim3A_1045, %select_n3A_1030 : vector<4x64xi1>, vector<4x64xi32>
      %eq3A_1047 = arith.constant 52 : i32
      %eq3A_1048 = vector.broadcast %eq3A_1047 : i32 to vector<4x8x1024xi32>
      %eq3A_1049 = arith.cmpi eq, %select_n3A_212, %eq3A_1048 : vector<4x8x1024xi32>
      %jit3A_1050 = arith.constant -1 : i32
      %broadcast_in_dim3A_1051 = vector.broadcast %jit3A_1050 : i32 to vector<4x8x1024xi32>
      %select_n3A_1052 = arith.select %eq3A_1049, %add3A_90, %broadcast_in_dim3A_1051 : vector<4x8x1024xi1>, vector<4x8x1024xi32>
      %reduce_max3A_1053 = arith.constant dense<-2147483648> : vector<4xi32>
      %reduce_max3A_1054 = vector.multi_reduction <maxsi>, %select_n3A_1052, %reduce_max3A_1053 [1, 2] : vector<4x8x1024xi32> to vector<4xi32>
      %broadcast_in_dim3A_1055 = vector.shape_cast %reduce_max3A_1054 : vector<4xi32> to vector<4x1x1xi32>
      %eq3A_1056 = arith.constant 52 : i32
      %eq3A_1057 = vector.broadcast %eq3A_1056 : i32 to vector<4x64xi32>
      %eq3A_1058 = arith.cmpi eq, %iota3A_91, %eq3A_1057 : vector<4x64xi32>
      %reshape3A_1059 = vector.shape_cast %broadcast_in_dim3A_1055 : vector<4x1x1xi32> to vector<4x1xi32>
      %broadcast_in_dim3A_1060 = vector.shape_cast %reshape3A_1059 : vector<4x1xi32> to vector<4x1xi32>
      %broadcast_in_dim3A_1061 = vector.broadcast %broadcast_in_dim3A_1060 : vector<4x1xi32> to vector<4x64xi32>
      %select_n3A_1062 = arith.select %eq3A_1058, %broadcast_in_dim3A_1061, %select_n3A_1046 : vector<4x64xi1>, vector<4x64xi32>
      %eq3A_1063 = arith.constant 53 : i32
      %eq3A_1064 = vector.broadcast %eq3A_1063 : i32 to vector<4x8x1024xi32>
      %eq3A_1065 = arith.cmpi eq, %select_n3A_212, %eq3A_1064 : vector<4x8x1024xi32>
      %jit3A_1066 = arith.constant -1 : i32
      %broadcast_in_dim3A_1067 = vector.broadcast %jit3A_1066 : i32 to vector<4x8x1024xi32>
      %select_n3A_1068 = arith.select %eq3A_1065, %add3A_90, %broadcast_in_dim3A_1067 : vector<4x8x1024xi1>, vector<4x8x1024xi32>
      %reduce_max3A_1069 = arith.constant dense<-2147483648> : vector<4xi32>
      %reduce_max3A_1070 = vector.multi_reduction <maxsi>, %select_n3A_1068, %reduce_max3A_1069 [1, 2] : vector<4x8x1024xi32> to vector<4xi32>
      %broadcast_in_dim3A_1071 = vector.shape_cast %reduce_max3A_1070 : vector<4xi32> to vector<4x1x1xi32>
      %eq3A_1072 = arith.constant 53 : i32
      %eq3A_1073 = vector.broadcast %eq3A_1072 : i32 to vector<4x64xi32>
      %eq3A_1074 = arith.cmpi eq, %iota3A_91, %eq3A_1073 : vector<4x64xi32>
      %reshape3A_1075 = vector.shape_cast %broadcast_in_dim3A_1071 : vector<4x1x1xi32> to vector<4x1xi32>
      %broadcast_in_dim3A_1076 = vector.shape_cast %reshape3A_1075 : vector<4x1xi32> to vector<4x1xi32>
      %broadcast_in_dim3A_1077 = vector.broadcast %broadcast_in_dim3A_1076 : vector<4x1xi32> to vector<4x64xi32>
      %select_n3A_1078 = arith.select %eq3A_1074, %broadcast_in_dim3A_1077, %select_n3A_1062 : vector<4x64xi1>, vector<4x64xi32>
      %eq3A_1079 = arith.constant 54 : i32
      %eq3A_1080 = vector.broadcast %eq3A_1079 : i32 to vector<4x8x1024xi32>
      %eq3A_1081 = arith.cmpi eq, %select_n3A_212, %eq3A_1080 : vector<4x8x1024xi32>
      %jit3A_1082 = arith.constant -1 : i32
      %broadcast_in_dim3A_1083 = vector.broadcast %jit3A_1082 : i32 to vector<4x8x1024xi32>
      %select_n3A_1084 = arith.select %eq3A_1081, %add3A_90, %broadcast_in_dim3A_1083 : vector<4x8x1024xi1>, vector<4x8x1024xi32>
      %reduce_max3A_1085 = arith.constant dense<-2147483648> : vector<4xi32>
      %reduce_max3A_1086 = vector.multi_reduction <maxsi>, %select_n3A_1084, %reduce_max3A_1085 [1, 2] : vector<4x8x1024xi32> to vector<4xi32>
      %broadcast_in_dim3A_1087 = vector.shape_cast %reduce_max3A_1086 : vector<4xi32> to vector<4x1x1xi32>
      %eq3A_1088 = arith.constant 54 : i32
      %eq3A_1089 = vector.broadcast %eq3A_1088 : i32 to vector<4x64xi32>
      %eq3A_1090 = arith.cmpi eq, %iota3A_91, %eq3A_1089 : vector<4x64xi32>
      %reshape3A_1091 = vector.shape_cast %broadcast_in_dim3A_1087 : vector<4x1x1xi32> to vector<4x1xi32>
      %broadcast_in_dim3A_1092 = vector.shape_cast %reshape3A_1091 : vector<4x1xi32> to vector<4x1xi32>
      %broadcast_in_dim3A_1093 = vector.broadcast %broadcast_in_dim3A_1092 : vector<4x1xi32> to vector<4x64xi32>
      %select_n3A_1094 = arith.select %eq3A_1090, %broadcast_in_dim3A_1093, %select_n3A_1078 : vector<4x64xi1>, vector<4x64xi32>
      %eq3A_1095 = arith.constant 55 : i32
      %eq3A_1096 = vector.broadcast %eq3A_1095 : i32 to vector<4x8x1024xi32>
      %eq3A_1097 = arith.cmpi eq, %select_n3A_212, %eq3A_1096 : vector<4x8x1024xi32>
      %jit3A_1098 = arith.constant -1 : i32
      %broadcast_in_dim3A_1099 = vector.broadcast %jit3A_1098 : i32 to vector<4x8x1024xi32>
      %select_n3A_1100 = arith.select %eq3A_1097, %add3A_90, %broadcast_in_dim3A_1099 : vector<4x8x1024xi1>, vector<4x8x1024xi32>
      %reduce_max3A_1101 = arith.constant dense<-2147483648> : vector<4xi32>
      %reduce_max3A_1102 = vector.multi_reduction <maxsi>, %select_n3A_1100, %reduce_max3A_1101 [1, 2] : vector<4x8x1024xi32> to vector<4xi32>
      %broadcast_in_dim3A_1103 = vector.shape_cast %reduce_max3A_1102 : vector<4xi32> to vector<4x1x1xi32>
      %eq3A_1104 = arith.constant 55 : i32
      %eq3A_1105 = vector.broadcast %eq3A_1104 : i32 to vector<4x64xi32>
      %eq3A_1106 = arith.cmpi eq, %iota3A_91, %eq3A_1105 : vector<4x64xi32>
      %reshape3A_1107 = vector.shape_cast %broadcast_in_dim3A_1103 : vector<4x1x1xi32> to vector<4x1xi32>
      %broadcast_in_dim3A_1108 = vector.shape_cast %reshape3A_1107 : vector<4x1xi32> to vector<4x1xi32>
      %broadcast_in_dim3A_1109 = vector.broadcast %broadcast_in_dim3A_1108 : vector<4x1xi32> to vector<4x64xi32>
      %select_n3A_1110 = arith.select %eq3A_1106, %broadcast_in_dim3A_1109, %select_n3A_1094 : vector<4x64xi1>, vector<4x64xi32>
      %eq3A_1111 = arith.constant 56 : i32
      %eq3A_1112 = vector.broadcast %eq3A_1111 : i32 to vector<4x8x1024xi32>
      %eq3A_1113 = arith.cmpi eq, %select_n3A_212, %eq3A_1112 : vector<4x8x1024xi32>
      %jit3A_1114 = arith.constant -1 : i32
      %broadcast_in_dim3A_1115 = vector.broadcast %jit3A_1114 : i32 to vector<4x8x1024xi32>
      %select_n3A_1116 = arith.select %eq3A_1113, %add3A_90, %broadcast_in_dim3A_1115 : vector<4x8x1024xi1>, vector<4x8x1024xi32>
      %reduce_max3A_1117 = arith.constant dense<-2147483648> : vector<4xi32>
      %reduce_max3A_1118 = vector.multi_reduction <maxsi>, %select_n3A_1116, %reduce_max3A_1117 [1, 2] : vector<4x8x1024xi32> to vector<4xi32>
      %broadcast_in_dim3A_1119 = vector.shape_cast %reduce_max3A_1118 : vector<4xi32> to vector<4x1x1xi32>
      %eq3A_1120 = arith.constant 56 : i32
      %eq3A_1121 = vector.broadcast %eq3A_1120 : i32 to vector<4x64xi32>
      %eq3A_1122 = arith.cmpi eq, %iota3A_91, %eq3A_1121 : vector<4x64xi32>
      %reshape3A_1123 = vector.shape_cast %broadcast_in_dim3A_1119 : vector<4x1x1xi32> to vector<4x1xi32>
      %broadcast_in_dim3A_1124 = vector.shape_cast %reshape3A_1123 : vector<4x1xi32> to vector<4x1xi32>
      %broadcast_in_dim3A_1125 = vector.broadcast %broadcast_in_dim3A_1124 : vector<4x1xi32> to vector<4x64xi32>
      %select_n3A_1126 = arith.select %eq3A_1122, %broadcast_in_dim3A_1125, %select_n3A_1110 : vector<4x64xi1>, vector<4x64xi32>
      %eq3A_1127 = arith.constant 57 : i32
      %eq3A_1128 = vector.broadcast %eq3A_1127 : i32 to vector<4x8x1024xi32>
      %eq3A_1129 = arith.cmpi eq, %select_n3A_212, %eq3A_1128 : vector<4x8x1024xi32>
      %jit3A_1130 = arith.constant -1 : i32
      %broadcast_in_dim3A_1131 = vector.broadcast %jit3A_1130 : i32 to vector<4x8x1024xi32>
      %select_n3A_1132 = arith.select %eq3A_1129, %add3A_90, %broadcast_in_dim3A_1131 : vector<4x8x1024xi1>, vector<4x8x1024xi32>
      %reduce_max3A_1133 = arith.constant dense<-2147483648> : vector<4xi32>
      %reduce_max3A_1134 = vector.multi_reduction <maxsi>, %select_n3A_1132, %reduce_max3A_1133 [1, 2] : vector<4x8x1024xi32> to vector<4xi32>
      %broadcast_in_dim3A_1135 = vector.shape_cast %reduce_max3A_1134 : vector<4xi32> to vector<4x1x1xi32>
      %eq3A_1136 = arith.constant 57 : i32
      %eq3A_1137 = vector.broadcast %eq3A_1136 : i32 to vector<4x64xi32>
      %eq3A_1138 = arith.cmpi eq, %iota3A_91, %eq3A_1137 : vector<4x64xi32>
      %reshape3A_1139 = vector.shape_cast %broadcast_in_dim3A_1135 : vector<4x1x1xi32> to vector<4x1xi32>
      %broadcast_in_dim3A_1140 = vector.shape_cast %reshape3A_1139 : vector<4x1xi32> to vector<4x1xi32>
      %broadcast_in_dim3A_1141 = vector.broadcast %broadcast_in_dim3A_1140 : vector<4x1xi32> to vector<4x64xi32>
      %select_n3A_1142 = arith.select %eq3A_1138, %broadcast_in_dim3A_1141, %select_n3A_1126 : vector<4x64xi1>, vector<4x64xi32>
      %eq3A_1143 = arith.constant 58 : i32
      %eq3A_1144 = vector.broadcast %eq3A_1143 : i32 to vector<4x8x1024xi32>
      %eq3A_1145 = arith.cmpi eq, %select_n3A_212, %eq3A_1144 : vector<4x8x1024xi32>
      %jit3A_1146 = arith.constant -1 : i32
      %broadcast_in_dim3A_1147 = vector.broadcast %jit3A_1146 : i32 to vector<4x8x1024xi32>
      %select_n3A_1148 = arith.select %eq3A_1145, %add3A_90, %broadcast_in_dim3A_1147 : vector<4x8x1024xi1>, vector<4x8x1024xi32>
      %reduce_max3A_1149 = arith.constant dense<-2147483648> : vector<4xi32>
      %reduce_max3A_1150 = vector.multi_reduction <maxsi>, %select_n3A_1148, %reduce_max3A_1149 [1, 2] : vector<4x8x1024xi32> to vector<4xi32>
      %broadcast_in_dim3A_1151 = vector.shape_cast %reduce_max3A_1150 : vector<4xi32> to vector<4x1x1xi32>
      %eq3A_1152 = arith.constant 58 : i32
      %eq3A_1153 = vector.broadcast %eq3A_1152 : i32 to vector<4x64xi32>
      %eq3A_1154 = arith.cmpi eq, %iota3A_91, %eq3A_1153 : vector<4x64xi32>
      %reshape3A_1155 = vector.shape_cast %broadcast_in_dim3A_1151 : vector<4x1x1xi32> to vector<4x1xi32>
      %broadcast_in_dim3A_1156 = vector.shape_cast %reshape3A_1155 : vector<4x1xi32> to vector<4x1xi32>
      %broadcast_in_dim3A_1157 = vector.broadcast %broadcast_in_dim3A_1156 : vector<4x1xi32> to vector<4x64xi32>
      %select_n3A_1158 = arith.select %eq3A_1154, %broadcast_in_dim3A_1157, %select_n3A_1142 : vector<4x64xi1>, vector<4x64xi32>
      %eq3A_1159 = arith.constant 59 : i32
      %eq3A_1160 = vector.broadcast %eq3A_1159 : i32 to vector<4x8x1024xi32>
      %eq3A_1161 = arith.cmpi eq, %select_n3A_212, %eq3A_1160 : vector<4x8x1024xi32>
      %jit3A_1162 = arith.constant -1 : i32
      %broadcast_in_dim3A_1163 = vector.broadcast %jit3A_1162 : i32 to vector<4x8x1024xi32>
      %select_n3A_1164 = arith.select %eq3A_1161, %add3A_90, %broadcast_in_dim3A_1163 : vector<4x8x1024xi1>, vector<4x8x1024xi32>
      %reduce_max3A_1165 = arith.constant dense<-2147483648> : vector<4xi32>
      %reduce_max3A_1166 = vector.multi_reduction <maxsi>, %select_n3A_1164, %reduce_max3A_1165 [1, 2] : vector<4x8x1024xi32> to vector<4xi32>
      %broadcast_in_dim3A_1167 = vector.shape_cast %reduce_max3A_1166 : vector<4xi32> to vector<4x1x1xi32>
      %eq3A_1168 = arith.constant 59 : i32
      %eq3A_1169 = vector.broadcast %eq3A_1168 : i32 to vector<4x64xi32>
      %eq3A_1170 = arith.cmpi eq, %iota3A_91, %eq3A_1169 : vector<4x64xi32>
      %reshape3A_1171 = vector.shape_cast %broadcast_in_dim3A_1167 : vector<4x1x1xi32> to vector<4x1xi32>
      %broadcast_in_dim3A_1172 = vector.shape_cast %reshape3A_1171 : vector<4x1xi32> to vector<4x1xi32>
      %broadcast_in_dim3A_1173 = vector.broadcast %broadcast_in_dim3A_1172 : vector<4x1xi32> to vector<4x64xi32>
      %select_n3A_1174 = arith.select %eq3A_1170, %broadcast_in_dim3A_1173, %select_n3A_1158 : vector<4x64xi1>, vector<4x64xi32>
      %eq3A_1175 = arith.constant 60 : i32
      %eq3A_1176 = vector.broadcast %eq3A_1175 : i32 to vector<4x8x1024xi32>
      %eq3A_1177 = arith.cmpi eq, %select_n3A_212, %eq3A_1176 : vector<4x8x1024xi32>
      %jit3A_1178 = arith.constant -1 : i32
      %broadcast_in_dim3A_1179 = vector.broadcast %jit3A_1178 : i32 to vector<4x8x1024xi32>
      %select_n3A_1180 = arith.select %eq3A_1177, %add3A_90, %broadcast_in_dim3A_1179 : vector<4x8x1024xi1>, vector<4x8x1024xi32>
      %reduce_max3A_1181 = arith.constant dense<-2147483648> : vector<4xi32>
      %reduce_max3A_1182 = vector.multi_reduction <maxsi>, %select_n3A_1180, %reduce_max3A_1181 [1, 2] : vector<4x8x1024xi32> to vector<4xi32>
      %broadcast_in_dim3A_1183 = vector.shape_cast %reduce_max3A_1182 : vector<4xi32> to vector<4x1x1xi32>
      %eq3A_1184 = arith.constant 60 : i32
      %eq3A_1185 = vector.broadcast %eq3A_1184 : i32 to vector<4x64xi32>
      %eq3A_1186 = arith.cmpi eq, %iota3A_91, %eq3A_1185 : vector<4x64xi32>
      %reshape3A_1187 = vector.shape_cast %broadcast_in_dim3A_1183 : vector<4x1x1xi32> to vector<4x1xi32>
      %broadcast_in_dim3A_1188 = vector.shape_cast %reshape3A_1187 : vector<4x1xi32> to vector<4x1xi32>
      %broadcast_in_dim3A_1189 = vector.broadcast %broadcast_in_dim3A_1188 : vector<4x1xi32> to vector<4x64xi32>
      %select_n3A_1190 = arith.select %eq3A_1186, %broadcast_in_dim3A_1189, %select_n3A_1174 : vector<4x64xi1>, vector<4x64xi32>
      %eq3A_1191 = arith.constant 61 : i32
      %eq3A_1192 = vector.broadcast %eq3A_1191 : i32 to vector<4x8x1024xi32>
      %eq3A_1193 = arith.cmpi eq, %select_n3A_212, %eq3A_1192 : vector<4x8x1024xi32>
      %jit3A_1194 = arith.constant -1 : i32
      %broadcast_in_dim3A_1195 = vector.broadcast %jit3A_1194 : i32 to vector<4x8x1024xi32>
      %select_n3A_1196 = arith.select %eq3A_1193, %add3A_90, %broadcast_in_dim3A_1195 : vector<4x8x1024xi1>, vector<4x8x1024xi32>
      %reduce_max3A_1197 = arith.constant dense<-2147483648> : vector<4xi32>
      %reduce_max3A_1198 = vector.multi_reduction <maxsi>, %select_n3A_1196, %reduce_max3A_1197 [1, 2] : vector<4x8x1024xi32> to vector<4xi32>
      %broadcast_in_dim3A_1199 = vector.shape_cast %reduce_max3A_1198 : vector<4xi32> to vector<4x1x1xi32>
      %eq3A_1200 = arith.constant 61 : i32
      %eq3A_1201 = vector.broadcast %eq3A_1200 : i32 to vector<4x64xi32>
      %eq3A_1202 = arith.cmpi eq, %iota3A_91, %eq3A_1201 : vector<4x64xi32>
      %reshape3A_1203 = vector.shape_cast %broadcast_in_dim3A_1199 : vector<4x1x1xi32> to vector<4x1xi32>
      %broadcast_in_dim3A_1204 = vector.shape_cast %reshape3A_1203 : vector<4x1xi32> to vector<4x1xi32>
      %broadcast_in_dim3A_1205 = vector.broadcast %broadcast_in_dim3A_1204 : vector<4x1xi32> to vector<4x64xi32>
      %select_n3A_1206 = arith.select %eq3A_1202, %broadcast_in_dim3A_1205, %select_n3A_1190 : vector<4x64xi1>, vector<4x64xi32>
      %eq3A_1207 = arith.constant 62 : i32
      %eq3A_1208 = vector.broadcast %eq3A_1207 : i32 to vector<4x8x1024xi32>
      %eq3A_1209 = arith.cmpi eq, %select_n3A_212, %eq3A_1208 : vector<4x8x1024xi32>
      %jit3A_1210 = arith.constant -1 : i32
      %broadcast_in_dim3A_1211 = vector.broadcast %jit3A_1210 : i32 to vector<4x8x1024xi32>
      %select_n3A_1212 = arith.select %eq3A_1209, %add3A_90, %broadcast_in_dim3A_1211 : vector<4x8x1024xi1>, vector<4x8x1024xi32>
      %reduce_max3A_1213 = arith.constant dense<-2147483648> : vector<4xi32>
      %reduce_max3A_1214 = vector.multi_reduction <maxsi>, %select_n3A_1212, %reduce_max3A_1213 [1, 2] : vector<4x8x1024xi32> to vector<4xi32>
      %broadcast_in_dim3A_1215 = vector.shape_cast %reduce_max3A_1214 : vector<4xi32> to vector<4x1x1xi32>
      %eq3A_1216 = arith.constant 62 : i32
      %eq3A_1217 = vector.broadcast %eq3A_1216 : i32 to vector<4x64xi32>
      %eq3A_1218 = arith.cmpi eq, %iota3A_91, %eq3A_1217 : vector<4x64xi32>
      %reshape3A_1219 = vector.shape_cast %broadcast_in_dim3A_1215 : vector<4x1x1xi32> to vector<4x1xi32>
      %broadcast_in_dim3A_1220 = vector.shape_cast %reshape3A_1219 : vector<4x1xi32> to vector<4x1xi32>
      %broadcast_in_dim3A_1221 = vector.broadcast %broadcast_in_dim3A_1220 : vector<4x1xi32> to vector<4x64xi32>
      %select_n3A_1222 = arith.select %eq3A_1218, %broadcast_in_dim3A_1221, %select_n3A_1206 : vector<4x64xi1>, vector<4x64xi32>
      %eq3A_1223 = arith.constant 63 : i32
      %eq3A_1224 = vector.broadcast %eq3A_1223 : i32 to vector<4x8x1024xi32>
      %eq3A_1225 = arith.cmpi eq, %select_n3A_212, %eq3A_1224 : vector<4x8x1024xi32>
      %jit3A_1226 = arith.constant -1 : i32
      %broadcast_in_dim3A_1227 = vector.broadcast %jit3A_1226 : i32 to vector<4x8x1024xi32>
      %select_n3A_1228 = arith.select %eq3A_1225, %add3A_90, %broadcast_in_dim3A_1227 : vector<4x8x1024xi1>, vector<4x8x1024xi32>
      %reduce_max3A_1229 = arith.constant dense<-2147483648> : vector<4xi32>
      %reduce_max3A_1230 = vector.multi_reduction <maxsi>, %select_n3A_1228, %reduce_max3A_1229 [1, 2] : vector<4x8x1024xi32> to vector<4xi32>
      %broadcast_in_dim3A_1231 = vector.shape_cast %reduce_max3A_1230 : vector<4xi32> to vector<4x1x1xi32>
      %eq3A_1232 = arith.constant 63 : i32
      %eq3A_1233 = vector.broadcast %eq3A_1232 : i32 to vector<4x64xi32>
      %eq3A_1234 = arith.cmpi eq, %iota3A_91, %eq3A_1233 : vector<4x64xi32>
      %reshape3A_1235 = vector.shape_cast %broadcast_in_dim3A_1231 : vector<4x1x1xi32> to vector<4x1xi32>
      %broadcast_in_dim3A_1236 = vector.shape_cast %reshape3A_1235 : vector<4x1xi32> to vector<4x1xi32>
      %broadcast_in_dim3A_1237 = vector.broadcast %broadcast_in_dim3A_1236 : vector<4x1xi32> to vector<4x64xi32>
      %select_n3A_1238 = arith.select %eq3A_1234, %broadcast_in_dim3A_1237, %select_n3A_1222 : vector<4x64xi1>, vector<4x64xi32>
      %slice3A_1239 = vector.extract_strided_slice %select_n3A_1238 {offsets = [0, 0], sizes = [4, 1], strides = [1, 1]} : vector<4x64xi32> to vector<4x1xi32>
      %lt3A = arith.constant 0 : i32
      %lt3A_1240 = vector.broadcast %lt3A : i32 to vector<4x64xi32>
      %lt3A_1241 = arith.cmpi slt, %select_n3A_1238, %lt3A_1240 : vector<4x64xi32>
      %broadcast_in_dim3A_1242 = vector.shape_cast %slice3A_1239 : vector<4x1xi32> to vector<4x1xi32>
      %broadcast_in_dim3A_1243 = vector.broadcast %broadcast_in_dim3A_1242 : vector<4x1xi32> to vector<4x64xi32>
      %select_n3A_1244 = arith.select %lt3A_1241, %broadcast_in_dim3A_1243, %select_n3A_1238 : vector<4x64xi1>, vector<4x64xi32>
      %iota3A_1245 = tpu.iota {dimensions = array<i32: 0>} : vector<4x64xi32>
      %mul3A_1246 = arith.constant 8192 : i32
      %mul3A_1247 = vector.broadcast %mul3A_1246 : i32 to vector<4x64xi32>
      %mul3A_1248 = arith.muli %iota3A_1245, %mul3A_1247 : vector<4x64xi32>
      %add3A_1249 = arith.addi %select_n3A_1244, %mul3A_1248 : vector<4x64xi32>
      %swap3A_1250 = arith.constant 0 : index
      %swap3A_1251 = arith.constant 0 : index
      %swap3A_1252 = vector.load %arg8[%swap3A_1250, %swap3A_1251] : memref<4x64xi32, #tpu.memory_space<vmem>>, vector<4x64xi32>
      tpu.vector_store %arg8[%swap3A_1250, %swap3A_1251], %add3A_1249 {strides = array<i32>} : memref<4x64xi32, #tpu.memory_space<vmem>>, vector<4x64xi32>,
    } else {
    }
    return
  }
  func.func @transform_0(%arg0: i32) -> (i32, i32) {
    %c0_i32 = arith.constant 0 : i32
    %c0_i32_0 = arith.constant 0 : i32
    return %arg0, %c0_i32 : i32, i32
  }
  func.func @transform_1(%arg0: i32) -> (i32, i32) {
    %c0_i32 = arith.constant 0 : i32
    %c0_i32_0 = arith.constant 0 : i32
    %c0_i32_1 = arith.constant 0 : i32
    return %c0_i32, %c0_i32_0 : i32, i32
  }
  func.func @transform_2(%arg0: i32) -> (i32, i32) {
    %c0_i32 = arith.constant 0 : i32
    %c0_i32_0 = arith.constant 0 : i32
    %c0_i32_1 = arith.constant 0 : i32
    return %c0_i32, %c0_i32_0 : i32, i32
  }
  func.func @transform_3(%arg0: i32) -> (i32, i32) {
    %c0_i32 = arith.constant 0 : i32
    %c0_i32_0 = arith.constant 0 : i32
    %c0_i32_1 = arith.constant 0 : i32
    return %c0_i32, %c0_i32_0 : i32, i32
  }
  func.func @transform_4(%arg0: i32) -> (i32, i32) {
    %c0_i32 = arith.constant 0 : i32
    %c0_i32_0 = arith.constant 0 : i32
    %c0_i32_1 = arith.constant 0 : i32
    return %c0_i32, %c0_i32_0 : i32, i32
  }
  func.func @transform_5(%arg0: i32) -> (i32, i32) {
    %c0_i32 = arith.constant 0 : i32
    %c0_i32_0 = arith.constant 0 : i32
    %c0_i32_1 = arith.constant 0 : i32
    return %c0_i32, %c0_i32_0 : i32, i32
  }
  func.func @transform_6(%arg0: i32) -> (i32, i32) {
    %c0_i32 = arith.constant 0 : i32
    %c0_i32_0 = arith.constant 0 : i32
    %c0_i32_1 = arith.constant 0 : i32
    return %c0_i32, %c0_i32_0 : i32, i32
  }
  func.func @transform_7(%arg0: i32) -> (i32, i32) {
    %c0_i32 = arith.constant 0 : i32
    %c0_i32_0 = arith.constant 0 : i32
    %c0_i32_1 = arith.constant 0 : i32
    return %c0_i32, %c0_i32_0 : i32, i32
  }
  func.func @transform_8(%arg0: i32) -> (i32, i32) {
    %c0_i32 = arith.constant 0 : i32
    %c0_i32_0 = arith.constant 0 : i32
    %c0_i32_1 = arith.constant 0 : i32
    return %c0_i32, %c0_i32_0 : i32, i32
  }
  func.func @transform_9(%arg0: i32) -> (i32, i32) {
    %c0_i32 = arith.constant 0 : i32
    %c0_i32_0 = arith.constant 0 : i32
    return %arg0, %c0_i32 : i32, i32
  }
}

</mosaic_0001>

<sc_bundles>
// kernel: kernel.4.cloned.1.call-start
scs
__scs_entry_jumppad:
0x0: {  	(pc) =	sbr.rel $0x88, $3  }
0x1: {  	(tag) =	ssettag $0x0;
	lr =	simm.s32 $0x1  }
0x2: {  	[smem:$0x3F9B] =	sst lr;
	_ =	strace $0xD0000000  }
0x3: {  	_ = 	snop  }
0x4: {  	_ = 	snop  }
0x5: {  	_ = 	snop  }
0x6: {  	_ = 	snop  }
0x7: {  	_ = 	snop  }
__scs_overlays_trampoline_lowered:
0x8: {  	[smem:$0x3FAA] =	sst s0  }
0x9: {  	[smem:$0x3FAB] =	sst s1  }
0xa: {  	[smem:$0x3FAC] =	sst s2  }
0xb: {  	[smem:$0x3FAD] =	sst s3  }
0xc: {  	[smem:$0x3FAE] =	sst s4  }
0xd: {  	[smem:$0x3FAF] =	sst s5  }
0xe: {  	[smem:$0x3FB0] =	sst s6  }
0xf: {  	[smem:$0x3FB1] =	sst s7  }
0x10: {  	[smem:$0x3FB2] =	sst s8  }
0x11: {  	[smem:$0x3FB3] =	sst s9;
	s0 =	simm.s32 @!p0 $0x0  }
0x12: {  	s1 =	sld [smem:$0x3F99];
	s0 =	simm.s32 @p0 $0x1  }
0x13: {  	[smem:$0x3FB4] =	sst s0;
	s0 =	simm.s32 @!p1 $0x0  }
0x14: {  	s2 =	sld [smem:$0x3F98];
	s0 =	simm.s32 @p1 $0x1  }
0x15: {  	[smem:$0x3FB5] =	sst s0;
	s0 =	simm.s32 @!p2 $0x0  }
0x16: {  	s3 =	sld [smem:$0x3FDB];
	s0 =	simm.s32 @p2 $0x1  }
0x17: {  	s4 =	simm.s32 $0x1BF5;
	[smem:$0x3FB7] =	sst s0  }
0x18: {  	s0 =	sld [smem:$0x3F9A];
	_ =	swait.ge [sflag:s4], $0x0  }
0x19: {  	s7 =	sld [smem:$0x3F9B]  }
0x1a: {  	s8 =	sadd.s32 $0xFFFFE003, lr  }
0x1b: {  	s9 =	sadd.s32 $0xFFFFFEF7, lr;
	s5 =	simm.s32 $0xFFFFFFFF;
	p2 =	slt.u32 s8, $0xFFFFF086  }
0x1c: {  	p1 =	slt.u32 s9, $0xF7A;
	s5 =	simm.s32 @!p2 $0x0  }
0x1d: {  	s5 =	simm.s32 @p1 $0x1;
	p0 =	seq.s32 s7, s2  }
0x1e: {  	s7 =	smul.u32 @!p0 $0xF7A, s2;
	p2 =	seq.s32 @!p0 s5, $0x0  }
0x1f: {  	s9 =	smul.u32 $0xF7A, s1;
	s8 =	simm.s32 @!p0 $0x1BF5;
	p2 =	por !p2, p0  }
0x20: {  	[sflag:s8] =	ssyncset.s32 @!p0 $0xFFFFF086;
	s6 =	sadd.s32 @!p0 s3, s7;
	s7 =	simm.s32 @!p0 $0x108  }
0x21: {  	s3 =	sadd.s32 s3, s9;
	s6 =	sadd.s32 @!p0 $0x88, s6;
	s7 =	simm.s32 @p2 $0x1082  }
0x22: {  	[simem:s7], [sflag:s8] =	dma.local @!p0 [hbm:s6], $0xF7A  }
0x23: {  	s9 =	sor.u32 $0xD0000000, s2;
	s6 =	simm.s32 $0x108;
	_ =	swait.ge @!p0 [sflag:s8], $0x0  }
0x24: {  	s3 =	sadd.s32 $0x88, s3;
	s6 =	simm.s32 @!p1 $0x1082;
	[sflag:s4] =	ssyncset.s32 $0xFFFFF086  }
0x25: {  	[simem:s6], [sflag:s4] =	dma.local [hbm:s3], $0xF7A  }
0x26: {  	[smem:$0x3F9B] =	sst s1;
	(tag) =	ssettag s2;
	_ =	strace s9  }
0x27: {  	s1 =	sld [smem:$0x3FAB]  }
0x28: {  	s2 =	sld [smem:$0x3FAC]  }
0x29: {  	s4 =	sld [smem:$0x3FAE]  }
0x2a: {  	p0 =	seq.s32 s5, $0x0;
	s5 =	sld [smem:$0x3FAF]  }
0x2b: {  	s6 =	sld [smem:$0x3FB0]  }
0x2c: {  	s7 =	sld [smem:$0x3FB1]  }
0x2d: {  	s3 =	simm.s32 $0x108;
	s8 =	sld [smem:$0x3FB2]  }
0x2e: {  	s3 =	simm.s32 @!p0 $0x1082;
	s9 =	sld [smem:$0x3FB3]  }
0x2f: {  	lr =	sadd.s32 s0, s3;
	s0 =	sld [smem:$0x3FAA]  }
0x30: {  	s3 =	sld [smem:$0x3FAD]  }
0x31: {  	[smem:$0x3FB6] =	sst s10  }
0x32: {  	s10 =	sld [smem:$0x3FB4];
	_ =	sdelay $0x3  }
0x33: {  	p0 =	seq.s32 s10, $0x1;
	s10 =	sld [smem:$0x3FB6];
	_ =	sdelay $0x3  }
0x34: {  	[smem:$0x3FB6] =	sst s10  }
0x35: {  	s10 =	sld [smem:$0x3FB5];
	_ =	sdelay $0x3  }
0x36: {  	p1 =	seq.s32 s10, $0x1;
	s10 =	sld [smem:$0x3FB6];
	_ =	sdelay $0x3  }
0x37: {  	[smem:$0x3FB6] =	sst s10  }
0x38: {  	s10 =	sld [smem:$0x3FB7]  }
0x39: {  	_ = 	snop;
	(pc) =	sbr.ind lr, $3  }
0x3a: {  	_ = 	snop  }
0x3b: {  	_ = 	snop  }
0x3c: {  	p2 =	seq.s32 s10, $0x1;
	s10 =	sld [smem:$0x3FB6]  }
0x3d: {  	_ =	shalt  }
0x3e: {  	_ =	shalt  }
0x3f: {  	_ =	shalt  }
0x40: {  	_ =	shalt  }
0x41: {  	_ =	shalt  }
0x42: {  	_ =	shalt  }
0x43: {  	_ =	shalt  }
0x44: {  	_ =	shalt  }
0x45: {  	_ =	shalt  }
0x46: {  	_ =	shalt  }
0x47: {  	_ =	shalt  }
0x48: {  	_ =	shalt  }
0x49: {  	_ =	shalt  }
0x4a: {  	_ =	shalt  }
0x4b: {  	_ =	shalt  }
0x4c: {  	_ =	shalt  }
0x4d: {  	_ =	shalt  }
0x4e: {  	_ =	shalt  }
0x4f: {  	_ =	shalt  }
0x50: {  	_ =	shalt  }
0x51: {  	_ =	shalt  }
0x52: {  	_ =	shalt  }
0x53: {  	_ =	shalt  }
0x54: {  	_ =	shalt  }
0x55: {  	_ =	shalt  }
0x56: {  	_ =	shalt  }
0x57: {  	_ =	shalt  }
0x58: {  	_ =	shalt  }
0x59: {  	_ =	shalt  }
0x5a: {  	_ =	shalt  }
0x5b: {  	_ =	shalt  }
0x5c: {  	_ =	shalt  }
0x5d: {  	_ =	shalt  }
0x5e: {  	_ =	shalt  }
0x5f: {  	_ =	shalt  }
0x60: {  	_ =	shalt  }
0x61: {  	_ =	shalt  }
0x62: {  	_ =	shalt  }
0x63: {  	_ =	shalt  }
0x64: {  	_ =	shalt  }
0x65: {  	_ =	shalt  }
0x66: {  	_ =	shalt  }
0x67: {  	_ =	shalt  }
0x68: {  	_ =	shalt  }
0x69: {  	_ =	shalt  }
0x6a: {  	_ =	shalt  }
0x6b: {  	_ =	shalt  }
0x6c: {  	_ =	shalt  }
0x6d: {  	_ =	shalt  }
0x6e: {  	_ =	shalt  }
0x6f: {  	_ =	shalt  }
0x70: {  	_ =	shalt  }
0x71: {  	_ =	shalt  }
0x72: {  	_ =	shalt  }
0x73: {  	_ =	shalt  }
0x74: {  	_ =	shalt  }
0x75: {  	_ =	shalt  }
0x76: {  	_ =	shalt  }
0x77: {  	_ =	shalt  }
0x78: {  	_ =	shalt  }
0x79: {  	_ =	shalt  }
0x7a: {  	_ =	shalt  }
0x7b: {  	_ =	shalt  }
0x7c: {  	_ =	shalt  }
0x7d: {  	_ =	shalt  }
0x7e: {  	_ =	shalt  }
0x7f: {  	_ =	shalt  }
0x80: {  	_ =	shalt  }
0x81: {  	_ =	shalt  }
0x82: {  	_ =	shalt  }
0x83: {  	_ =	shalt  }
0x84: {  	_ =	shalt  }
0x85: {  	_ =	shalt  }
0x86: {  	_ =	shalt  }
0x87: {  	_ =	shalt  }
.Lfunc_end0:
.L_simem_size_0:
called_computation_lowered:
.L_overlay_start_0:
0x88: {  	s2 =	sld [smem:$0x3FD9]  }
0x89: {  	s3 =	sld [smem:$0x3FFE];
	_ =	sdelay $0x1  }
0x8a: {  	s1 =	srdreg.scid  }
0x8b: {  	s0 =	sand.u32 $0x1, s1  }
0x8c: {  	s14 =	sshll.u32 s0, $0xA;
	s2 =	sadd.s32 s3, s2  }
0x8d: {  	s2 =	sadd.s32 s2, s14  }
0x8e: {  	[smem:$0x3FC2] =	sst s2  }
0x8f: {  	_ = 	snop  }
0x90: {  	s2 =	sld [smem:$0x3FD0];
	_ =	sdelay $0x2  }
0x91: {  	s4 =	simm.s32 $0xA;
	s5 =	simm.s32 $0x10;
	s15 =	sld [smem:$0x3FC9]  }
0x92: {  	[smem:s5], [sflag:s4] =	dma.local [hbm:s2], $0x1  }
0x93: {  	_ =	swait.eq [sflag:s4], $0x1  }
0x94: {  	[sflag:s4] =	ssyncset.done $0x0  }
0x95: {  	[sflag:s4] =	ssyncadd.s32 $0xFFFFFFFF  }
0x96: {  	s16 =	sld [smem:$0x10];
	(tm) =	ssettm $0x1  }
0x97: {  	s17 =	sld [smem:$0x3FFB];
	_ =	sdelay $0x3  }
0x98: {  	_ =	strace s17  }
0x99: {  	s4 =	sld [smem:$0x3FFC];
	_ =	sdelay $0x3  }
0x9a: {  	_ =	strace s4  }
0x9b: {  	s4 =	sld [smem:$0x3FFD];
	_ =	sdelay $0x3  }
0x9c: {  	_ =	strace s4  }
0x9d: {  	_ =	strace $0x8FFFFFFF  }
0x9e: {  	s18 =	sld [smem:$0x3FDB];
	_ =	sdelay $0x1  }
0x9f: {  	s19 =	simm.s32 $_scs_section_size  }
0xa0: {  	s6 =	simm.s32 $_size__tile_overlayer_lowered;
	s7 =	simm.s32 $_tile_overlayer_lowered  }
0xa1: {  	s22 =	simm.s32 $0x1BFF;
	s21 =	sshll.u32 s7, $0x1;
	s4 =	sadd.s32 s19, s18  }
0xa2: {  	s8 =	simm.s32 $0x0;
	s20 =	sshll.u32 s6, $0x1;
	s6 =	sadd.s32 s21, s4  }
0xa3: {  	[timem:s8], [sflag:s22] =	dma.local [hbm:s6], s20  }
0xa4: {  	_ =	swait.ge [sflag:s22], s20  }
0xa5: {  	s5 =	ssub.s32 $0x0, s20;
	[sflag:s22] =	ssyncset.done $0x0  }
0xa6: {  	[sflag:s22] =	ssyncadd.s32 s5;
	_ =	sdelay $0x1  }
0xa7: {  	s23 =	simm.s32 $0x1B8B  }
0xa8: {  	_ =	swait.ge [sflag:s23], $0x1  }
0xa9: {  	[sflag:s23] =	ssyncset.done $0x0  }
0xaa: {  	s25 =	simm.s32 $0x1B8E;
	s24 =	sld [smem:$0x3FFE];
	[sflag:s23] =	ssyncadd.s32 $0xFFFFFFFF  }
0xab: {  	s26 =	simm.s32 $execute0_lowered;
	[smem:$0x3FD2] =	sst s25  }
0xac: {  	s6 =	sshll.u32 s26, $0x1;
	_ =	strace $0x80000046;
	[dreg:$0x1] =	wrdreg $0xFFFFFFFF  }
0xad: {  	s28 =	simm.s32 $_size_execute0_lowered;
	s4 =	sadd.s32 s4, s6;
	[dreg:$0x0] =	wrdreg $0x0  }
0xae: {  	s6 =	sshll.u32 s28, $0x1;
	[dreg:$0x2] =	wrdreg s4  }
0xaf: {  	[dreg:$0x3] =	wrdreg s6  }
0xb0: {  	[dreg:$0x4] =	wrdreg $0xC0  }
0xb1: {  	_ =	task [dreg:s8], $0x5FFFF  }
0xb2: {  	[dreg:$0x1] =	wrdreg $0xFFFFFFFF  }
0xb3: {  	[dreg:$0x0] =	wrdreg $0x60  }
0xb4: {  	[dreg:$0x2] =	wrdreg s15  }
0xb5: {  	[dreg:$0x3] =	wrdreg s24  }
0xb6: {  	[dreg:$0x4] =	wrdreg s16  }
0xb7: {  	[dreg:$0x5] =	wrdreg $0x9  }
0xb8: {  	_ =	task.clear_ibuf [dreg:s8], $0x6FFFF;
	_ =	strace $0x90000046  }
0xb9: {  	s29 =	simm.s32 $0x9;
	_ =	strace $0x80000048  }
0xba: {  	_ =	swait.ge [sflag:s29], $0x1  }
0xbb: {  	[sflag:s29] =	ssyncadd.s32 $0xFFFFFFFF  }
0xbc: {  	_ =	strace $0x90000048  }
0xbd: {  	_ =	sfence  }
0xbe: {  	s30 =	sld [smem:$0x0];
	_ =	sdelay $0x2  }
0xbf: {  	s31 =	sshll.u32 s1, $0xD;
	s1 =	sshrl.u32 s1, $0x2  }
0xc0: {  	s3 =	sand.u32 $0x4000, s31;
	s1 =	sadd.s32 s1, s30  }
0xc1: {  	s0 =	sor.u32 s3, s0;
	s1 =	sshll.u32 s1, $0x11  }
0xc2: {  	s0 =	sor.u32 s1, s0  }
0xc3: {  	s0 =	sadd.s32 $0x8F2B, s0  }
0xc4: {  	[sflag:s0] =	ssyncadd.remote.s32 $0x1  }
0xc5: {  	_ =	sfence.sel $0xFFFF  }
0xc6: {  	[dreg:$0x0] =	wrdreg $0xFFFFFFFF;
	(pc) =	sbr.abs _section_cstart, $3  }
0xc7: {  	[dreg:$0x1] =	wrdreg $0xFFFFFFFF  }
0xc8: {  	_ =	task.clear_ibuf [dreg:s8], $0x2FFFF;
	_ =	strace $0x9FFFFFFF  }
0xc9: {  	(tm) =	ssettm $0x7FFFFFFF  }
tec
execute0_lowered:
.L_overlay_start_1:
0x0: {  	(tag) =	ssettag $0x1  }
0x1: {  	s2 =	stileid.u32  }
0x2: {  	p0 =	sgt.u32 s2, $0x7  }
.Ltmp0:
0x3: {  	s1 =	rddreg [dreg:$0x0];
	(pc) =	sbr.rel @p0 .LBB2_3-.Ltmp0, $4  }
0x4: {  	s5 =	rddreg [dreg:$0x1]  }
0x5: {  	s3 =	rddreg [dreg:$0x2];
	s4 =	simm.s32 $0x0  }
0x6: {  	[smem:$0x7FF] =	sst s4  }
0x7: {  	s0 =	rddreg [dreg:$0x3];
	_ =	strace $0x80000047  }
0x8: {  	s8 =	sadd.s32 $0xC00, s5;
	s7 =	srdreg.scid  }
0x9: {  	s5 =	sadd.s32 $0x100, s1;
	s6 =	sadd.s32 $0x200, s1;
	s11 =	sshll.u32 s2, $0x1  }
0xa: {  	s13 =	simm.s32 $0x880;
	s14 =	simm.s32 $0x1080;
	s15 =	simm.s32 $0x1880  }
0xb: {  	s16 =	simm.s32 $0x2080;
	s17 =	simm.s32 $0x2880;
	s9 =	sand.u32 $0x1, s7  }
0xc: {  	s18 =	simm.s32 $0x1;
	s7 =	sadd.s32 $0x100, s3;
	s10 =	ssub.s32 $0x2, s9  }
0xd: {  	v2 =	vlaneseq.u32;
	s11 =	sadd.s32 s8, s11;
	s9 =	sshll.u32 s9, $0x4;
	s12 =	sshrl.u32 s10, $0x1  }
0xe: {  	vm0 =	vmmov $0xffff;
	s8 =	sadd.s32 $0x200, s3;
	v1 =	vshrl.u32 v2, $0x3;
	s9 =	sadd.s32 s9, s11;
	s10 =	ssub.s32 s10, s12  }
0xf: {  	v0 =	vand.u32 $0x7, v2;
	v2 =	vor.u32 $0x8, v2;
	v1 =	vmul.u32 $0x8, v1;
	s11 =	simm.s32 $0x2;
	s12 =	simm.s32 $0x80;
	s10 =	smax.u32 s10, $0x1  }
.LBB2_2:
0x10: {  	[tilespmem:s4], [sflag:$0x2] =	stream.linear.gather [hbm4b:s9+s4], $0x10, $0x38;
	[tilespmem:$0x3080] =	vst v63  }
0x11: {  	_ =	swait.ge [sflag:s11], $0x10  }
0x12: {  	[sflag:s11] =	ssyncset.done $0x0  }
0x13: {  	[sflag:s11] =	ssyncadd.s32 $0xFFFFFFF0  }
0x14: {  	v3 =	vld [tilespmem:$0x0];
	_ =	sdelay $0x4  }
0x15: {  	v4 =	vshrl.u32 v3, $0x3  }
0x16: {  	v4 =	vmul.u32 $0x30, v4  }
0x17: {  	v3 =	vand.u32 $0x7, v3  }
0x18: {  	v3 =	vor.u32 v3, v4  }
0x19: {  	v4 =	vperm.xlane v3, v0;
	_ =	sdelay $0x1  }
0x1a: {  	v4 =	vadd.s32 v1, v4;
	_ =	sdelay $0x3  }
0x1b: {  	v3 =	vperm.xlane v3, v2  }
0x1c: {  	[tilespmem:s12], [sflag:$0x1] =	stream.indirect_vreg.gather [hbm4b:s1+s4], $0x80, v4, vm0, $0xb8;
	[tilespmem:$0x3080] =	vst v63  }
0x1d: {  	v3 =	vadd.s32 v1, v3  }
0x1e: {  	[tilespmem:s13], [sflag:$0x1] =	stream.indirect_vreg.gather [hbm4b:s5+s4], $0x80, v4, vm0, $0xb8;
	[tilespmem:$0x3080] =	vst v63  }
0x1f: {  	_ = 	snop  }
0x20: {  	[tilespmem:s14], [sflag:$0x1] =	stream.indirect_vreg.gather [hbm4b:s6+s4], $0x80, v4, vm0, $0xb8;
	[tilespmem:$0x3080] =	vst v63  }
0x21: {  	_ = 	snop  }
0x22: {  	[tilespmem:s15], [sflag:$0x1] =	stream.indirect_vreg.gather [hbm4b:s1+s4], $0x80, v3, vm0, $0xb8;
	[tilespmem:$0x3080] =	vst v63  }
0x23: {  	_ = 	snop  }
0x24: {  	[tilespmem:s16], [sflag:$0x1] =	stream.indirect_vreg.gather [hbm4b:s5+s4], $0x80, v3, vm0, $0xb8;
	[tilespmem:$0x3080] =	vst v63  }
0x25: {  	_ = 	snop  }
0x26: {  	[tilespmem:s17], [sflag:$0x1] =	stream.indirect_vreg.gather [hbm4b:s6+s4], $0x80, v3, vm0, $0xb8;
	[tilespmem:$0x3080] =	vst v63  }
0x27: {  	_ =	swait.ge [sflag:s18], $0x3000  }
0x28: {  	[sflag:s18] =	ssyncset.done $0x0  }
0x29: {  	[sflag:s18] =	ssyncadd.s32 $0xFFFFD000  }
0x2a: {  	v3 =	vld [tilespmem:$0x0];
	_ =	sdelay $0x4  }
0x2b: {  	v63 =	vshrl.u32 v3, $0x3  }
0x2c: {  	v4 =	vmul.u32 $0x30, v63  }
0x2d: {  	v3 =	vand.u32 $0x7, v3  }
0x2e: {  	v3 =	vor.u32 v3, v4  }
0x2f: {  	v4 =	vperm.xlane v3, v0;
	_ =	sdelay $0x1  }
0x30: {  	v4 =	vadd.s32 v1, v4;
	_ =	sdelay $0x3  }
0x31: {  	v3 =	vperm.xlane v3, v2  }
0x32: {  	[hbm4b:s3+s4] =	stream.indirect_vreg.scatter [tilespmem:s12], [sflag:$0x1], $0x80, v4, vm0, $0xb8;
	[tilespmem:$0x3080] =	vst v63  }
0x33: {  	v3 =	vadd.s32 v1, v3  }
0x34: {  	[hbm4b:s7+s4] =	stream.indirect_vreg.scatter [tilespmem:s13], [sflag:$0x1], $0x80, v4, vm0, $0xb8;
	[tilespmem:$0x3080] =	vst v63  }
0x35: {  	_ = 	snop  }
0x36: {  	[hbm4b:s8+s4] =	stream.indirect_vreg.scatter [tilespmem:s14], [sflag:$0x1], $0x80, v4, vm0, $0xb8;
	[tilespmem:$0x3080] =	vst v63  }
0x37: {  	_ = 	snop  }
0x38: {  	[hbm4b:s3+s4] =	stream.indirect_vreg.scatter [tilespmem:s15], [sflag:$0x1], $0x80, v3, vm0, $0xb8;
	[tilespmem:$0x3080] =	vst v63  }
0x39: {  	p0 =	sne.s32 s10, $0x1  }
0x3a: {  	[hbm4b:s7+s4] =	stream.indirect_vreg.scatter [tilespmem:s16], [sflag:$0x1], $0x80, v3, vm0, $0xb8;
	[tilespmem:$0x3080] =	vst v63  }
.Ltmp1:
0x3b: {  	_ = 	snop;
	(pc) =	sbr.rel @p0 .LBB2_2-.Ltmp1, $4  }
0x3c: {  	[hbm4b:s8+s4] =	stream.indirect_vreg.scatter [tilespmem:s17], [sflag:$0x1], $0x80, v3, vm0, $0xb8;
	[tilespmem:$0x3080] =	vst v63  }
0x3d: {  	_ =	swait.ge [sflag:s18], $0x3000  }
0x3e: {  	[sflag:s18] =	ssyncset.done $0x0  }
0x3f: {  	s10 =	sadd.s32 $0xFFFFFFFF, s10;
	[sflag:s18] =	ssyncadd.s32 $0xFFFFD000  }
.LBB2_3:
0x40: {  	_ =	sfence.sel $0x180000  }
0x41: {  	[bflag:$0x0] =	sbarrier.arrive $0xFFFF  }
0x42: {  	p0 =	sne.s32 s2, $0x0;
	_ =	strace $0x90000047  }
0x43: {  	s0 =	sadd.s32 @!p0 $0x100000, s0;
	[bflag:$0x2] =	sbarrier.arrive $0xFFFF  }
0x44: {  	[sflag:s0] =	ssyncadd.tile.s32 @!p0 $0x1;
	_ =	shalt  }
.Lfunc_end2:
_tile_overlayer_lowered:
.L_overlay_start_2:
0x45: {  	(tag) =	ssettag $0x2  }
0x46: {  	s0 =	rddreg [dreg:$0x0];
	s2 =	stileid.u32  }
0x47: {  	s1 =	rddreg [dreg:$0x1];
	p0 =	sne.s32 s2, $0x0  }
0x48: {  	s3 =	rddreg [dreg:$0x2];
	[bflag:$0x3] =	sbarrier.arrive $0xFFFF;
	s2 =	simm.s32 @!p0 $0x1C02  }
0x49: {  	[timem:s3], [sflag:s2] =	dma.local @!p0 [hbm:s0], s1  }
0x4a: {  	s0 =	simm.s32 @!p0 $0x2  }
0x4b: {  	_ =	swait.ge @!p0 [sflag:s0], s1  }
0x4c: {  	s1 =	ssub.s32 @!p0 $0x0, s1;
	[sflag:s0] =	ssyncset.done @!p0 $0x0  }
0x4d: {  	[sflag:s0] =	ssyncadd.s32 @!p0 s1  }
0x4e: {  	[bflag:$0x3] =	sbarrier.arrive $0xFFFF  }
0x4f: {  	_ =	shalt  }

</sc_bundles>
